<compile_context>
chip_gen: v7x
topology: tpu7x:2x2x1
jax: 0.10.2.dev20260603
libtpu: 0.0.44.dev20260713+nightly
codegen_flags: <defaults>
</compile_context>

<pallas_src>
import functools

import jax
import jax.numpy as jnp
from jax import lax
from jax.experimental import pallas as pl
from jax.experimental.pallas import tpu as pltpu
from jax.experimental.pallas import tpu_sc as plsc

_LANES = 16


def _sc_grid(total: int):
    info = plsc.get_sparse_core_info()
    nc, ns = info.num_cores, info.num_subcores
    return nc, ns, nc * ns


@functools.lru_cache(maxsize=None)
def _build_packed_gather(total: int, split: int, factor: int, dim: int):
    nc, ns, nw = _sc_grid(total)
    assert total % nw == 0
    bpw = total // nw
    nchunk = 8
    while bpw % nchunk:
        nchunk += 1
    csz = bpw // nchunk
    ngrp = csz // _LANES
    assert csz % _LANES == 0 and csz % 8 == 0

    mesh = plsc.VectorSubcoreMesh(core_axis_name="core", subcore_axis_name="subcore")

    @functools.partial(
        pl.kernel,
        mesh=mesh,
        out_type=jax.ShapeDtypeStruct((total, dim), jnp.float32),
        compiler_params=pltpu.CompilerParams(
            use_tc_tiling_on_sc=False, needs_layout_passes=False
        ),
        scratch_types=[
            pltpu.VMEM((nchunk, csz), jnp.int32),
            pltpu.VMEM((csz, dim), jnp.float32),
            pltpu.VMEM((csz, dim), jnp.float32),
            pltpu.VMEM((csz,), jnp.int32),
            pltpu.VMEM((csz,), jnp.int32),
            pltpu.SemaphoreType.DMA,
            pltpu.SemaphoreType.DMA,
            pltpu.SemaphoreType.DMA,
            pltpu.SemaphoreType.DMA,
        ],
    )
    def gather(
        table_hbm, idx_hbm, out_hbm, idx_v,
        rows0, rows1, qr0, qr1, gs0, gs1, ws0, ws1,
    ):
        rows = (rows0, rows1)
        qr = (qr0, qr1)
        gs = (gs0, gs1)
        ws = (ws0, ws1)
        wid = lax.axis_index("subcore") * nc + lax.axis_index("core")
        base = wid * bpw
        pltpu.sync_copy(idx_hbm.at[wid], idx_v)

        def prep(j, b):
            @pl.loop(0, ngrp)
            def _(g):
                sl = pl.ds(g * _LANES, _LANES)
                iv = idx_v[j, sl]
                one = jnp.full((_LANES,), 1, jnp.int32)
                zero = jnp.full((_LANES,), 0, jnp.int32)
                f = jnp.where(iv >= split, one, zero)
                for k in range(2, factor):
                    f = f + jnp.where(iv >= k * split, one, zero)
                qr[b][sl] = (iv - f * split) * factor + f

        def gstart(j):
            return pltpu.async_copy(
                table_hbm.at[qr[j % 2]], rows[j % 2], gs[j % 2]
            )

        def wstart(j):
            return pltpu.async_copy(
                rows[j % 2], out_hbm.at[pl.ds(base + j * csz, csz)], ws[j % 2]
            )

        gh = [None] * nchunk
        wh = [None] * nchunk
        prep(0, 0)
        gh[0] = gstart(0)
        if nchunk > 1:
            prep(1, 1)
            gh[1] = gstart(1)
        for j in range(nchunk):
            gh[j].wait()
            wh[j] = wstart(j)
            if j + 2 < nchunk:
                wh[j].wait()
                prep(j + 2, j % 2)
                gh[j + 2] = gstart(j + 2)
        for j in range(max(0, nchunk - 2), nchunk):
            wh[j].wait()

    return gather


@functools.lru_cache(maxsize=None)
def _build_flat_gather(total: int, dim: int):
    nc, ns, nw = _sc_grid(total)
    assert total % nw == 0
    bpw = total // nw
    nchunk = 8
    while bpw % nchunk:
        nchunk += 1
    csz = bpw // nchunk
    assert csz % 8 == 0
    mesh = plsc.VectorSubcoreMesh(core_axis_name="core", subcore_axis_name="subcore")

    @functools.partial(
        pl.kernel,
        mesh=mesh,
        out_type=jax.ShapeDtypeStruct((total, dim), jnp.float32),
        compiler_params=pltpu.CompilerParams(use_tc_tiling_on_sc=False),
        scratch_types=[
            pltpu.VMEM((nchunk, csz), jnp.int32),
            pltpu.VMEM((csz, dim), jnp.float32),
            pltpu.VMEM((csz, dim), jnp.float32),
            pltpu.SemaphoreType.DMA,
            pltpu.SemaphoreType.DMA,
            pltpu.SemaphoreType.DMA,
            pltpu.SemaphoreType.DMA,
        ],
    )
    def gather(table_hbm, idx_hbm, out_hbm, idx_v, rows0, rows1, gs0, gs1, ws0, ws1):
        bufs = (rows0, rows1)
        gsems = (gs0, gs1)
        wsems = (ws0, ws1)
        wid = lax.axis_index("subcore") * nc + lax.axis_index("core")
        base = wid * bpw
        pltpu.sync_copy(idx_hbm.at[wid], idx_v)

        def gstart(j):
            return pltpu.async_copy(
                table_hbm.at[idx_v.at[j]], bufs[j % 2], gsems[j % 2]
            )

        def wstart(j):
            return pltpu.async_copy(
                bufs[j % 2], out_hbm.at[pl.ds(base + j * csz, csz)], wsems[j % 2]
            )

        gh = [None] * nchunk
        wh = [None] * nchunk
        gh[0] = gstart(0)
        if nchunk > 1:
            gh[1] = gstart(1)
        for j in range(nchunk):
            gh[j].wait()
            wh[j] = wstart(j)
            if j + 2 < nchunk:
                wh[j].wait()
                gh[j + 2] = gstart(j + 2)
        for j in range(max(0, nchunk - 2), nchunk):
            wh[j].wait()

    return gather


def kernel(indices, tables):
    b, s = indices.shape
    factor, split, dim = tables.shape
    total = b * s
    _, _, nw = _sc_grid(total)
    idx = indices.reshape(-1).astype(jnp.int32)
    if factor * dim == 128 and total % nw == 0 and (total // nw) % 16 == 0:
        fn = _build_packed_gather(total, split, factor, dim)
        bpw = total // nw
        nchunk = 8
        while bpw % nchunk:
            nchunk += 1
        csz = bpw // nchunk
        table_v = tables.transpose(0, 2, 1).reshape(factor * dim, split).T
        table_q = jax.lax.optimization_barrier(table_v).reshape(
            split * factor, dim
        )
        out = fn(table_q, idx.reshape(nw, nchunk, csz))
    else:
        fn = _build_flat_gather(total, dim)
        bpw = total // nw
        nchunk = 8
        while bpw % nchunk:
            nchunk += 1
        csz = bpw // nchunk
        out = fn(tables.reshape(factor * split, dim), idx.reshape(nw, nchunk, csz))
    return out.reshape(b, s, dim)

# --- scband reference (transcript-rebuilt; emitter-appended) ---
"""Pipeline reference for scband-serialized-embedding-43576738185340 (READ-ONLY COPY).

The authoritative reference and input builder live on the scoring server;
editing this copy changes nothing except your own understanding.
"""

import jax, jax.numpy as jnp
import numpy as np

SERIALIZATION_FACTOR = 4
NUM_EMBEDDINGS = 1000000
EMBEDDING_DIM = 32
SPLIT_SIZE = NUM_EMBEDDINGS // SERIALIZATION_FACTOR


def setup_inputs(seed: int = 0) -> dict:
    key = jax.random.key(seed)
    k_idx, k_tab = jax.random.split(key)
    indices = jax.random.randint(k_idx, (16384, 26), 0, NUM_EMBEDDINGS, dtype=jnp.int64 if jax.config.read('jax_enable_x64') else jnp.int32)
    tables = jax.random.normal(k_tab, (SERIALIZATION_FACTOR, SPLIT_SIZE, EMBEDDING_DIM), dtype=jnp.float32)
    return {"indices": indices, "tables": tables}


def reference(indices, tables):
    split_size = tables.shape[1]
    factor = tables.shape[0]
    x_sum = None
    for i in range(factor):
        split_indices = indices - i * split_size
        mask = (split_indices >= 0) & (split_indices < split_size)
        split_indices = split_indices * mask
        x = jnp.take(tables[i], split_indices, axis=0)
        x = x * mask[..., None].astype(x.dtype)
        if x_sum is None:
            x_sum = x
        else:
            x_sum = x_sum + x
    return x_sum

if __name__ == "__main__":
    import jax
    _d = setup_inputs()
    print(jax.jit(kernel)(*tuple(_d.values())))

</pallas_src>

<mosaic_0001>
#map = affine_map<(d0, d1) -> (0, 0)>
#map1 = affine_map<(d0, d1) -> (0, 0, 0)>
module attributes {stable_mosaic.version = 14 : i64} {
  func.func @gather(%arg0: i32, %arg1: i32, %arg2: memref<1000000x32xf32, #tpu.memory_space<hbm>>, %arg3: memref<32x8x1664xi32, #tpu.memory_space<hbm>>, %arg4: memref<425984x32xf32, #tpu.memory_space<hbm>>, %arg5: memref<8x1664xi32, #tpu.memory_space<vmem>>, %arg6: memref<1664x32xf32, #tpu.memory_space<vmem>>, %arg7: memref<1664x32xf32, #tpu.memory_space<vmem>>, %arg8: memref<1664xi32, #tpu.memory_space<vmem>>, %arg9: memref<1664xi32, #tpu.memory_space<vmem>>, %arg10: memref<!tpu.dma_semaphore, #tpu.memory_space<semaphore_mem>>, %arg11: memref<!tpu.dma_semaphore, #tpu.memory_space<semaphore_mem>>, %arg12: memref<!tpu.dma_semaphore, #tpu.memory_space<semaphore_mem>>, %arg13: memref<!tpu.dma_semaphore, #tpu.memory_space<semaphore_mem>>) attributes {dimension_semantics = [#tpu.dimension_semantics<core_parallel>, #tpu.dimension_semantics<subcore_parallel>], iteration_bounds = array<i64: 2, 16>, scalar_prefetch = 0 : i64, scratch_operands = 9 : i64, tpu.core_type = #tpu.core_type<sc_vector_subcore>, window_params = [{transform_indices = #map}, {transform_indices = #map1}, {transform_indices = #map}]} {
    %mul3A = arith.constant 2 : i32
    %mul3A_0 = arith.muli %arg1, %mul3A : i32
    %add3A = arith.addi %mul3A_0, %arg0 : i32
    %mul3A_1 = arith.constant 13312 : i32
    %mul3A_2 = arith.muli %add3A, %mul3A_1 : i32
    "tpu.region"() ({
      %run_scoped3A = tpu.sem_alloc : memref<!tpu.dma_semaphore, #tpu.memory_space<semaphore_mem>>
      %dma_start3A_168 = arith.constant 0 : i32
      %dma_start3A_169 = arith.constant 0 : i32
      %dma_start3A_170 = tpu.memref_slice %arg3[%add3A, %dma_start3A_168, %dma_start3A_169] : memref<32x8x1664xi32, #tpu.memory_space<hbm>> -> memref<1x8x1664xi32, #tpu.memory_space<hbm>>
      %dma_start3A_171 = tpu.memref_squeeze %dma_start3A_170 : memref<1x8x1664xi32, #tpu.memory_space<hbm>> -> memref<8x1664xi32, #tpu.memory_space<hbm>>
      %dma_start3A_172 = arith.constant 0 : i32
      %dma_start3A_173 = arith.constant 0 : i32
      %dma_start3A_174 = tpu.memref_slice %arg3[%add3A, %dma_start3A_172, %dma_start3A_173] : memref<32x8x1664xi32, #tpu.memory_space<hbm>> -> memref<1x8x1664xi32, #tpu.memory_space<hbm>>
      %dma_start3A_175 = tpu.memref_squeeze %dma_start3A_174 : memref<1x8x1664xi32, #tpu.memory_space<hbm>> -> memref<8x1664xi32, #tpu.memory_space<hbm>>
      tpu.enqueue_dma source(%dma_start3A_175 : memref<8x1664xi32, #tpu.memory_space<hbm>>) target(%arg5 : memref<8x1664xi32, #tpu.memory_space<vmem>>) target_semaphore(%run_scoped3A : memref<!tpu.dma_semaphore, #tpu.memory_space<semaphore_mem>>)
      %dma_wait3A_176 = arith.constant 0 : i32
      %dma_wait3A_177 = arith.constant 0 : i32
      %dma_wait3A_178 = tpu.memref_slice %arg3[%add3A, %dma_wait3A_176, %dma_wait3A_177] : memref<32x8x1664xi32, #tpu.memory_space<hbm>> -> memref<1x8x1664xi32, #tpu.memory_space<hbm>>
      %dma_wait3A_179 = tpu.memref_squeeze %dma_wait3A_178 : memref<1x8x1664xi32, #tpu.memory_space<hbm>> -> memref<8x1664xi32, #tpu.memory_space<hbm>>
      %dma_wait3A_180 = arith.constant 0 : i32
      %dma_wait3A_181 = arith.constant 0 : i32
      %dma_wait3A_182 = tpu.memref_slice %arg3[%add3A, %dma_wait3A_180, %dma_wait3A_181] : memref<32x8x1664xi32, #tpu.memory_space<hbm>> -> memref<1x8x1664xi32, #tpu.memory_space<hbm>>
      %dma_wait3A_183 = tpu.memref_squeeze %dma_wait3A_182 : memref<1x8x1664xi32, #tpu.memory_space<hbm>> -> memref<8x1664xi32, #tpu.memory_space<hbm>>
      tpu.wait_dma2 semaphore(%run_scoped3A : memref<!tpu.dma_semaphore, #tpu.memory_space<semaphore_mem>>) src(%dma_wait3A_183 : memref<8x1664xi32, #tpu.memory_space<hbm>>) dst(%arg5 : memref<8x1664xi32, #tpu.memory_space<vmem>>)
      tpu.yield
    }) : () -> ()
    %scan3A = arith.constant 0 : i32
    %scan3A_3 = arith.constant 104 : i32
    %scan3A_4 = arith.addi %scan3A, %scan3A_3 : i32
    %scan3A_5 = arith.constant 1 : i32
    scf.for %scan3A_168 = %scan3A to %scan3A_4 step %scan3A_5  : i32 {
      %mul3A_169 = arith.constant 1 : i32
      %mul3A_170 = arith.muli %scan3A_168, %mul3A_169 : i32
      %add3A_171 = arith.constant 0 : i32
      %add3A_172 = arith.addi %add3A_171, %mul3A_170 : i32
      %mul3A_173 = arith.constant 16 : i32
      %mul3A_174 = arith.muli %add3A_172, %mul3A_173 : i32
      %get3A = arith.constant 0 : i32
      %get3A_175 = arith.index_cast %get3A : i32 to index
      %get3A_176 = arith.index_cast %mul3A_174 : i32 to index
      %get3A_177 = tpu.vector_load %arg5[%get3A_175, %get3A_176] {strides = array<i32>} : memref<8x1664xi32, #tpu.memory_space<vmem>>, vector<16xi32>,
      %broadcast_in_dim3A = arith.constant 1 : i32
      %broadcast_in_dim3A_178 = vector.broadcast %broadcast_in_dim3A : i32 to vector<16xi32>
      %broadcast_in_dim3A_179 = arith.constant 0 : i32
      %broadcast_in_dim3A_180 = vector.broadcast %broadcast_in_dim3A_179 : i32 to vector<16xi32>
      %ge3A = arith.constant 250000 : i32
      %ge3A_181 = vector.broadcast %ge3A : i32 to vector<16xi32>
      %ge3A_182 = arith.cmpi sge, %get3A_177, %ge3A_181 : vector<16xi32>
      %select_n3A = arith.select %ge3A_182, %broadcast_in_dim3A_178, %broadcast_in_dim3A_180 : vector<16xi1>, vector<16xi32>
      %ge3A_183 = arith.constant 500000 : i32
      %ge3A_184 = vector.broadcast %ge3A_183 : i32 to vector<16xi32>
      %ge3A_185 = arith.cmpi sge, %get3A_177, %ge3A_184 : vector<16xi32>
      %select_n3A_186 = arith.select %ge3A_185, %broadcast_in_dim3A_178, %broadcast_in_dim3A_180 : vector<16xi1>, vector<16xi32>
      %add3A_187 = arith.addi %select_n3A, %select_n3A_186 : vector<16xi32>
      %ge3A_188 = arith.constant 750000 : i32
      %ge3A_189 = vector.broadcast %ge3A_188 : i32 to vector<16xi32>
      %ge3A_190 = arith.cmpi sge, %get3A_177, %ge3A_189 : vector<16xi32>
      %select_n3A_191 = arith.select %ge3A_190, %broadcast_in_dim3A_178, %broadcast_in_dim3A_180 : vector<16xi1>, vector<16xi32>
      %add3A_192 = arith.addi %add3A_187, %select_n3A_191 : vector<16xi32>
      %mul3A_193 = arith.constant 250000 : i32
      %mul3A_194 = vector.broadcast %mul3A_193 : i32 to vector<16xi32>
      %mul3A_195 = arith.muli %add3A_192, %mul3A_194 : vector<16xi32>
      %sub3A = arith.subi %get3A_177, %mul3A_195 : vector<16xi32>
      %mul3A_196 = arith.constant 4 : i32
      %mul3A_197 = vector.broadcast %mul3A_196 : i32 to vector<16xi32>
      %mul3A_198 = arith.muli %sub3A, %mul3A_197 : vector<16xi32>
      %add3A_199 = arith.addi %mul3A_198, %add3A_192 : vector<16xi32>
      %swap3A = arith.index_cast %mul3A_174 : i32 to index
      %swap3A_200 = tpu.vector_load %arg8[%swap3A] {strides = array<i32>} : memref<1664xi32, #tpu.memory_space<vmem>>, vector<16xi32>,
      tpu.vector_store %arg8[%swap3A], %add3A_199 {strides = array<i32>} : memref<1664xi32, #tpu.memory_space<vmem>>, vector<16xi32>,
    }
    %scan3A_6 = arith.constant 104 : i32
    %dma_start3A = arith.constant 0 : i32
    %dma_start3A_7 = arith.constant 0 : i32
    %dma_start3A_8 = tpu.memref_slice %arg2[%dma_start3A, %dma_start3A_7] : memref<1000000x32xf32, #tpu.memory_space<hbm>> -> memref<1000000x32xf32, #tpu.memory_space<hbm>>
    tpu.enqueue_indirect_dma source(%dma_start3A_8 : memref<1000000x32xf32, #tpu.memory_space<hbm>>) target(%arg6 : memref<1664x32xf32, #tpu.memory_space<vmem>>) offsets(%arg8 : memref<1664xi32, #tpu.memory_space<vmem>>) semaphore(%arg10 : memref<!tpu.dma_semaphore, #tpu.memory_space<semaphore_mem>>)
    %scan3A_9 = arith.constant 0 : i32
    %scan3A_10 = arith.constant 104 : i32
    %scan3A_11 = arith.addi %scan3A_9, %scan3A_10 : i32
    %scan3A_12 = arith.constant 1 : i32
    scf.for %scan3A_168 = %scan3A_9 to %scan3A_11 step %scan3A_12  : i32 {
      %mul3A_169 = arith.constant 1 : i32
      %mul3A_170 = arith.muli %scan3A_168, %mul3A_169 : i32
      %add3A_171 = arith.constant 0 : i32
      %add3A_172 = arith.addi %add3A_171, %mul3A_170 : i32
      %mul3A_173 = arith.constant 16 : i32
      %mul3A_174 = arith.muli %add3A_172, %mul3A_173 : i32
      %get3A = arith.constant 1 : i32
      %get3A_175 = arith.index_cast %get3A : i32 to index
      %get3A_176 = arith.index_cast %mul3A_174 : i32 to index
      %get3A_177 = tpu.vector_load %arg5[%get3A_175, %get3A_176] {strides = array<i32>} : memref<8x1664xi32, #tpu.memory_space<vmem>>, vector<16xi32>,
      %broadcast_in_dim3A = arith.constant 1 : i32
      %broadcast_in_dim3A_178 = vector.broadcast %broadcast_in_dim3A : i32 to vector<16xi32>
      %broadcast_in_dim3A_179 = arith.constant 0 : i32
      %broadcast_in_dim3A_180 = vector.broadcast %broadcast_in_dim3A_179 : i32 to vector<16xi32>
      %ge3A = arith.constant 250000 : i32
      %ge3A_181 = vector.broadcast %ge3A : i32 to vector<16xi32>
      %ge3A_182 = arith.cmpi sge, %get3A_177, %ge3A_181 : vector<16xi32>
      %select_n3A = arith.select %ge3A_182, %broadcast_in_dim3A_178, %broadcast_in_dim3A_180 : vector<16xi1>, vector<16xi32>
      %ge3A_183 = arith.constant 500000 : i32
      %ge3A_184 = vector.broadcast %ge3A_183 : i32 to vector<16xi32>
      %ge3A_185 = arith.cmpi sge, %get3A_177, %ge3A_184 : vector<16xi32>
      %select_n3A_186 = arith.select %ge3A_185, %broadcast_in_dim3A_178, %broadcast_in_dim3A_180 : vector<16xi1>, vector<16xi32>
      %add3A_187 = arith.addi %select_n3A, %select_n3A_186 : vector<16xi32>
      %ge3A_188 = arith.constant 750000 : i32
      %ge3A_189 = vector.broadcast %ge3A_188 : i32 to vector<16xi32>
      %ge3A_190 = arith.cmpi sge, %get3A_177, %ge3A_189 : vector<16xi32>
      %select_n3A_191 = arith.select %ge3A_190, %broadcast_in_dim3A_178, %broadcast_in_dim3A_180 : vector<16xi1>, vector<16xi32>
      %add3A_192 = arith.addi %add3A_187, %select_n3A_191 : vector<16xi32>
      %mul3A_193 = arith.constant 250000 : i32
      %mul3A_194 = vector.broadcast %mul3A_193 : i32 to vector<16xi32>
      %mul3A_195 = arith.muli %add3A_192, %mul3A_194 : vector<16xi32>
      %sub3A = arith.subi %get3A_177, %mul3A_195 : vector<16xi32>
      %mul3A_196 = arith.constant 4 : i32
      %mul3A_197 = vector.broadcast %mul3A_196 : i32 to vector<16xi32>
      %mul3A_198 = arith.muli %sub3A, %mul3A_197 : vector<16xi32>
      %add3A_199 = arith.addi %mul3A_198, %add3A_192 : vector<16xi32>
      %swap3A = arith.index_cast %mul3A_174 : i32 to index
      %swap3A_200 = tpu.vector_load %arg9[%swap3A] {strides = array<i32>} : memref<1664xi32, #tpu.memory_space<vmem>>, vector<16xi32>,
      tpu.vector_store %arg9[%swap3A], %add3A_199 {strides = array<i32>} : memref<1664xi32, #tpu.memory_space<vmem>>, vector<16xi32>,
    }
    %scan3A_13 = arith.constant 104 : i32
    %dma_start3A_14 = arith.constant 0 : i32
    %dma_start3A_15 = arith.constant 0 : i32
    %dma_start3A_16 = tpu.memref_slice %arg2[%dma_start3A_14, %dma_start3A_15] : memref<1000000x32xf32, #tpu.memory_space<hbm>> -> memref<1000000x32xf32, #tpu.memory_space<hbm>>
    tpu.enqueue_indirect_dma source(%dma_start3A_16 : memref<1000000x32xf32, #tpu.memory_space<hbm>>) target(%arg7 : memref<1664x32xf32, #tpu.memory_space<vmem>>) offsets(%arg9 : memref<1664xi32, #tpu.memory_space<vmem>>) semaphore(%arg11 : memref<!tpu.dma_semaphore, #tpu.memory_space<semaphore_mem>>)
    %dma_wait3A = arith.constant 0 : i32
    %dma_wait3A_17 = arith.constant 0 : i32
    %dma_wait3A_18 = tpu.memref_slice %arg2[%dma_wait3A, %dma_wait3A_17] : memref<1000000x32xf32, #tpu.memory_space<hbm>> -> memref<1000000x32xf32, #tpu.memory_space<hbm>>
    tpu.wait_indirect_dma semaphore(%arg10 : memref<!tpu.dma_semaphore, #tpu.memory_space<semaphore_mem>>) src(%dma_wait3A_18 : memref<1000000x32xf32, #tpu.memory_space<hbm>>) dst(%arg6 : memref<1664x32xf32, #tpu.memory_space<vmem>>)
    %add3A_19 = arith.constant 0 : i32
    %add3A_20 = arith.addi %mul3A_2, %add3A_19 : i32
    %dma_start3A_21 = arith.constant 0 : i32
    %dma_start3A_22 = tpu.memref_slice %arg4[%add3A_20, %dma_start3A_21] : memref<425984x32xf32, #tpu.memory_space<hbm>> -> memref<1664x32xf32, #tpu.memory_space<hbm>>
    %dma_start3A_23 = arith.constant 0 : i32
    %dma_start3A_24 = tpu.memref_slice %arg4[%add3A_20, %dma_start3A_23] : memref<425984x32xf32, #tpu.memory_space<hbm>> -> memref<1664x32xf32, #tpu.memory_space<hbm>>
    tpu.enqueue_dma source(%arg6 : memref<1664x32xf32, #tpu.memory_space<vmem>>) target(%dma_start3A_24 : memref<1664x32xf32, #tpu.memory_space<hbm>>) target_semaphore(%arg12 : memref<!tpu.dma_semaphore, #tpu.memory_space<semaphore_mem>>)
    %dma_wait3A_25 = arith.constant 0 : i32
    %dma_wait3A_26 = tpu.memref_slice %arg4[%add3A_20, %dma_wait3A_25] : memref<425984x32xf32, #tpu.memory_space<hbm>> -> memref<1664x32xf32, #tpu.memory_space<hbm>>
    %dma_wait3A_27 = arith.constant 0 : i32
    %dma_wait3A_28 = tpu.memref_slice %arg4[%add3A_20, %dma_wait3A_27] : memref<425984x32xf32, #tpu.memory_space<hbm>> -> memref<1664x32xf32, #tpu.memory_space<hbm>>
    tpu.wait_dma2 semaphore(%arg12 : memref<!tpu.dma_semaphore, #tpu.memory_space<semaphore_mem>>) src(%arg6 : memref<1664x32xf32, #tpu.memory_space<vmem>>) dst(%dma_wait3A_28 : memref<1664x32xf32, #tpu.memory_space<hbm>>)
    %scan3A_29 = arith.constant 0 : i32
    %scan3A_30 = arith.constant 104 : i32
    %scan3A_31 = arith.addi %scan3A_29, %scan3A_30 : i32
    %scan3A_32 = arith.constant 1 : i32
    scf.for %scan3A_168 = %scan3A_29 to %scan3A_31 step %scan3A_32  : i32 {
      %mul3A_169 = arith.constant 1 : i32
      %mul3A_170 = arith.muli %scan3A_168, %mul3A_169 : i32
      %add3A_171 = arith.constant 0 : i32
      %add3A_172 = arith.addi %add3A_171, %mul3A_170 : i32
      %mul3A_173 = arith.constant 16 : i32
      %mul3A_174 = arith.muli %add3A_172, %mul3A_173 : i32
      %get3A = arith.constant 2 : i32
      %get3A_175 = arith.index_cast %get3A : i32 to index
      %get3A_176 = arith.index_cast %mul3A_174 : i32 to index
      %get3A_177 = tpu.vector_load %arg5[%get3A_175, %get3A_176] {strides = array<i32>} : memref<8x1664xi32, #tpu.memory_space<vmem>>, vector<16xi32>,
      %broadcast_in_dim3A = arith.constant 1 : i32
      %broadcast_in_dim3A_178 = vector.broadcast %broadcast_in_dim3A : i32 to vector<16xi32>
      %broadcast_in_dim3A_179 = arith.constant 0 : i32
      %broadcast_in_dim3A_180 = vector.broadcast %broadcast_in_dim3A_179 : i32 to vector<16xi32>
      %ge3A = arith.constant 250000 : i32
      %ge3A_181 = vector.broadcast %ge3A : i32 to vector<16xi32>
      %ge3A_182 = arith.cmpi sge, %get3A_177, %ge3A_181 : vector<16xi32>
      %select_n3A = arith.select %ge3A_182, %broadcast_in_dim3A_178, %broadcast_in_dim3A_180 : vector<16xi1>, vector<16xi32>
      %ge3A_183 = arith.constant 500000 : i32
      %ge3A_184 = vector.broadcast %ge3A_183 : i32 to vector<16xi32>
      %ge3A_185 = arith.cmpi sge, %get3A_177, %ge3A_184 : vector<16xi32>
      %select_n3A_186 = arith.select %ge3A_185, %broadcast_in_dim3A_178, %broadcast_in_dim3A_180 : vector<16xi1>, vector<16xi32>
      %add3A_187 = arith.addi %select_n3A, %select_n3A_186 : vector<16xi32>
      %ge3A_188 = arith.constant 750000 : i32
      %ge3A_189 = vector.broadcast %ge3A_188 : i32 to vector<16xi32>
      %ge3A_190 = arith.cmpi sge, %get3A_177, %ge3A_189 : vector<16xi32>
      %select_n3A_191 = arith.select %ge3A_190, %broadcast_in_dim3A_178, %broadcast_in_dim3A_180 : vector<16xi1>, vector<16xi32>
      %add3A_192 = arith.addi %add3A_187, %select_n3A_191 : vector<16xi32>
      %mul3A_193 = arith.constant 250000 : i32
      %mul3A_194 = vector.broadcast %mul3A_193 : i32 to vector<16xi32>
      %mul3A_195 = arith.muli %add3A_192, %mul3A_194 : vector<16xi32>
      %sub3A = arith.subi %get3A_177, %mul3A_195 : vector<16xi32>
      %mul3A_196 = arith.constant 4 : i32
      %mul3A_197 = vector.broadcast %mul3A_196 : i32 to vector<16xi32>
      %mul3A_198 = arith.muli %sub3A, %mul3A_197 : vector<16xi32>
      %add3A_199 = arith.addi %mul3A_198, %add3A_192 : vector<16xi32>
      %swap3A = arith.index_cast %mul3A_174 : i32 to index
      %swap3A_200 = tpu.vector_load %arg8[%swap3A] {strides = array<i32>} : memref<1664xi32, #tpu.memory_space<vmem>>, vector<16xi32>,
      tpu.vector_store %arg8[%swap3A], %add3A_199 {strides = array<i32>} : memref<1664xi32, #tpu.memory_space<vmem>>, vector<16xi32>,
    }
    %scan3A_33 = arith.constant 104 : i32
    %dma_start3A_34 = arith.constant 0 : i32
    %dma_start3A_35 = arith.constant 0 : i32
    %dma_start3A_36 = tpu.memref_slice %arg2[%dma_start3A_34, %dma_start3A_35] : memref<1000000x32xf32, #tpu.memory_space<hbm>> -> memref<1000000x32xf32, #tpu.memory_space<hbm>>
    tpu.enqueue_indirect_dma source(%dma_start3A_36 : memref<1000000x32xf32, #tpu.memory_space<hbm>>) target(%arg6 : memref<1664x32xf32, #tpu.memory_space<vmem>>) offsets(%arg8 : memref<1664xi32, #tpu.memory_space<vmem>>) semaphore(%arg10 : memref<!tpu.dma_semaphore, #tpu.memory_space<semaphore_mem>>)
    %dma_wait3A_37 = arith.constant 0 : i32
    %dma_wait3A_38 = arith.constant 0 : i32
    %dma_wait3A_39 = tpu.memref_slice %arg2[%dma_wait3A_37, %dma_wait3A_38] : memref<1000000x32xf32, #tpu.memory_space<hbm>> -> memref<1000000x32xf32, #tpu.memory_space<hbm>>
    tpu.wait_indirect_dma semaphore(%arg11 : memref<!tpu.dma_semaphore, #tpu.memory_space<semaphore_mem>>) src(%dma_wait3A_39 : memref<1000000x32xf32, #tpu.memory_space<hbm>>) dst(%arg7 : memref<1664x32xf32, #tpu.memory_space<vmem>>)
    %add3A_40 = arith.constant 1664 : i32
    %add3A_41 = arith.addi %mul3A_2, %add3A_40 : i32
    %dma_start3A_42 = arith.constant 0 : i32
    %dma_start3A_43 = tpu.memref_slice %arg4[%add3A_41, %dma_start3A_42] : memref<425984x32xf32, #tpu.memory_space<hbm>> -> memref<1664x32xf32, #tpu.memory_space<hbm>>
    %dma_start3A_44 = arith.constant 0 : i32
    %dma_start3A_45 = tpu.memref_slice %arg4[%add3A_41, %dma_start3A_44] : memref<425984x32xf32, #tpu.memory_space<hbm>> -> memref<1664x32xf32, #tpu.memory_space<hbm>>
    tpu.enqueue_dma source(%arg7 : memref<1664x32xf32, #tpu.memory_space<vmem>>) target(%dma_start3A_45 : memref<1664x32xf32, #tpu.memory_space<hbm>>) target_semaphore(%arg13 : memref<!tpu.dma_semaphore, #tpu.memory_space<semaphore_mem>>)
    %dma_wait3A_46 = arith.constant 0 : i32
    %dma_wait3A_47 = tpu.memref_slice %arg4[%add3A_41, %dma_wait3A_46] : memref<425984x32xf32, #tpu.memory_space<hbm>> -> memref<1664x32xf32, #tpu.memory_space<hbm>>
    %dma_wait3A_48 = arith.constant 0 : i32
    %dma_wait3A_49 = tpu.memref_slice %arg4[%add3A_41, %dma_wait3A_48] : memref<425984x32xf32, #tpu.memory_space<hbm>> -> memref<1664x32xf32, #tpu.memory_space<hbm>>
    tpu.wait_dma2 semaphore(%arg13 : memref<!tpu.dma_semaphore, #tpu.memory_space<semaphore_mem>>) src(%arg7 : memref<1664x32xf32, #tpu.memory_space<vmem>>) dst(%dma_wait3A_49 : memref<1664x32xf32, #tpu.memory_space<hbm>>)
    %scan3A_50 = arith.constant 0 : i32
    %scan3A_51 = arith.constant 104 : i32
    %scan3A_52 = arith.addi %scan3A_50, %scan3A_51 : i32
    %scan3A_53 = arith.constant 1 : i32
    scf.for %scan3A_168 = %scan3A_50 to %scan3A_52 step %scan3A_53  : i32 {
      %mul3A_169 = arith.constant 1 : i32
      %mul3A_170 = arith.muli %scan3A_168, %mul3A_169 : i32
      %add3A_171 = arith.constant 0 : i32
      %add3A_172 = arith.addi %add3A_171, %mul3A_170 : i32
      %mul3A_173 = arith.constant 16 : i32
      %mul3A_174 = arith.muli %add3A_172, %mul3A_173 : i32
      %get3A = arith.constant 3 : i32
      %get3A_175 = arith.index_cast %get3A : i32 to index
      %get3A_176 = arith.index_cast %mul3A_174 : i32 to index
      %get3A_177 = tpu.vector_load %arg5[%get3A_175, %get3A_176] {strides = array<i32>} : memref<8x1664xi32, #tpu.memory_space<vmem>>, vector<16xi32>,
      %broadcast_in_dim3A = arith.constant 1 : i32
      %broadcast_in_dim3A_178 = vector.broadcast %broadcast_in_dim3A : i32 to vector<16xi32>
      %broadcast_in_dim3A_179 = arith.constant 0 : i32
      %broadcast_in_dim3A_180 = vector.broadcast %broadcast_in_dim3A_179 : i32 to vector<16xi32>
      %ge3A = arith.constant 250000 : i32
      %ge3A_181 = vector.broadcast %ge3A : i32 to vector<16xi32>
      %ge3A_182 = arith.cmpi sge, %get3A_177, %ge3A_181 : vector<16xi32>
      %select_n3A = arith.select %ge3A_182, %broadcast_in_dim3A_178, %broadcast_in_dim3A_180 : vector<16xi1>, vector<16xi32>
      %ge3A_183 = arith.constant 500000 : i32
      %ge3A_184 = vector.broadcast %ge3A_183 : i32 to vector<16xi32>
      %ge3A_185 = arith.cmpi sge, %get3A_177, %ge3A_184 : vector<16xi32>
      %select_n3A_186 = arith.select %ge3A_185, %broadcast_in_dim3A_178, %broadcast_in_dim3A_180 : vector<16xi1>, vector<16xi32>
      %add3A_187 = arith.addi %select_n3A, %select_n3A_186 : vector<16xi32>
      %ge3A_188 = arith.constant 750000 : i32
      %ge3A_189 = vector.broadcast %ge3A_188 : i32 to vector<16xi32>
      %ge3A_190 = arith.cmpi sge, %get3A_177, %ge3A_189 : vector<16xi32>
      %select_n3A_191 = arith.select %ge3A_190, %broadcast_in_dim3A_178, %broadcast_in_dim3A_180 : vector<16xi1>, vector<16xi32>
      %add3A_192 = arith.addi %add3A_187, %select_n3A_191 : vector<16xi32>
      %mul3A_193 = arith.constant 250000 : i32
      %mul3A_194 = vector.broadcast %mul3A_193 : i32 to vector<16xi32>
      %mul3A_195 = arith.muli %add3A_192, %mul3A_194 : vector<16xi32>
      %sub3A = arith.subi %get3A_177, %mul3A_195 : vector<16xi32>
      %mul3A_196 = arith.constant 4 : i32
      %mul3A_197 = vector.broadcast %mul3A_196 : i32 to vector<16xi32>
      %mul3A_198 = arith.muli %sub3A, %mul3A_197 : vector<16xi32>
      %add3A_199 = arith.addi %mul3A_198, %add3A_192 : vector<16xi32>
      %swap3A = arith.index_cast %mul3A_174 : i32 to index
      %swap3A_200 = tpu.vector_load %arg9[%swap3A] {strides = array<i32>} : memref<1664xi32, #tpu.memory_space<vmem>>, vector<16xi32>,
      tpu.vector_store %arg9[%swap3A], %add3A_199 {strides = array<i32>} : memref<1664xi32, #tpu.memory_space<vmem>>, vector<16xi32>,
    }
    %scan3A_54 = arith.constant 104 : i32
    %dma_start3A_55 = arith.constant 0 : i32
    %dma_start3A_56 = arith.constant 0 : i32
    %dma_start3A_57 = tpu.memref_slice %arg2[%dma_start3A_55, %dma_start3A_56] : memref<1000000x32xf32, #tpu.memory_space<hbm>> -> memref<1000000x32xf32, #tpu.memory_space<hbm>>
    tpu.enqueue_indirect_dma source(%dma_start3A_57 : memref<1000000x32xf32, #tpu.memory_space<hbm>>) target(%arg7 : memref<1664x32xf32, #tpu.memory_space<vmem>>) offsets(%arg9 : memref<1664xi32, #tpu.memory_space<vmem>>) semaphore(%arg11 : memref<!tpu.dma_semaphore, #tpu.memory_space<semaphore_mem>>)
    %dma_wait3A_58 = arith.constant 0 : i32
    %dma_wait3A_59 = arith.constant 0 : i32
    %dma_wait3A_60 = tpu.memref_slice %arg2[%dma_wait3A_58, %dma_wait3A_59] : memref<1000000x32xf32, #tpu.memory_space<hbm>> -> memref<1000000x32xf32, #tpu.memory_space<hbm>>
    tpu.wait_indirect_dma semaphore(%arg10 : memref<!tpu.dma_semaphore, #tpu.memory_space<semaphore_mem>>) src(%dma_wait3A_60 : memref<1000000x32xf32, #tpu.memory_space<hbm>>) dst(%arg6 : memref<1664x32xf32, #tpu.memory_space<vmem>>)
    %add3A_61 = arith.constant 3328 : i32
    %add3A_62 = arith.addi %mul3A_2, %add3A_61 : i32
    %dma_start3A_63 = arith.constant 0 : i32
    %dma_start3A_64 = tpu.memref_slice %arg4[%add3A_62, %dma_start3A_63] : memref<425984x32xf32, #tpu.memory_space<hbm>> -> memref<1664x32xf32, #tpu.memory_space<hbm>>
    %dma_start3A_65 = arith.constant 0 : i32
    %dma_start3A_66 = tpu.memref_slice %arg4[%add3A_62, %dma_start3A_65] : memref<425984x32xf32, #tpu.memory_space<hbm>> -> memref<1664x32xf32, #tpu.memory_space<hbm>>
    tpu.enqueue_dma source(%arg6 : memref<1664x32xf32, #tpu.memory_space<vmem>>) target(%dma_start3A_66 : memref<1664x32xf32, #tpu.memory_space<hbm>>) target_semaphore(%arg12 : memref<!tpu.dma_semaphore, #tpu.memory_space<semaphore_mem>>)
    %dma_wait3A_67 = arith.constant 0 : i32
    %dma_wait3A_68 = tpu.memref_slice %arg4[%add3A_62, %dma_wait3A_67] : memref<425984x32xf32, #tpu.memory_space<hbm>> -> memref<1664x32xf32, #tpu.memory_space<hbm>>
    %dma_wait3A_69 = arith.constant 0 : i32
    %dma_wait3A_70 = tpu.memref_slice %arg4[%add3A_62, %dma_wait3A_69] : memref<425984x32xf32, #tpu.memory_space<hbm>> -> memref<1664x32xf32, #tpu.memory_space<hbm>>
    tpu.wait_dma2 semaphore(%arg12 : memref<!tpu.dma_semaphore, #tpu.memory_space<semaphore_mem>>) src(%arg6 : memref<1664x32xf32, #tpu.memory_space<vmem>>) dst(%dma_wait3A_70 : memref<1664x32xf32, #tpu.memory_space<hbm>>)
    %scan3A_71 = arith.constant 0 : i32
    %scan3A_72 = arith.constant 104 : i32
    %scan3A_73 = arith.addi %scan3A_71, %scan3A_72 : i32
    %scan3A_74 = arith.constant 1 : i32
    scf.for %scan3A_168 = %scan3A_71 to %scan3A_73 step %scan3A_74  : i32 {
      %mul3A_169 = arith.constant 1 : i32
      %mul3A_170 = arith.muli %scan3A_168, %mul3A_169 : i32
      %add3A_171 = arith.constant 0 : i32
      %add3A_172 = arith.addi %add3A_171, %mul3A_170 : i32
      %mul3A_173 = arith.constant 16 : i32
      %mul3A_174 = arith.muli %add3A_172, %mul3A_173 : i32
      %get3A = arith.constant 4 : i32
      %get3A_175 = arith.index_cast %get3A : i32 to index
      %get3A_176 = arith.index_cast %mul3A_174 : i32 to index
      %get3A_177 = tpu.vector_load %arg5[%get3A_175, %get3A_176] {strides = array<i32>} : memref<8x1664xi32, #tpu.memory_space<vmem>>, vector<16xi32>,
      %broadcast_in_dim3A = arith.constant 1 : i32
      %broadcast_in_dim3A_178 = vector.broadcast %broadcast_in_dim3A : i32 to vector<16xi32>
      %broadcast_in_dim3A_179 = arith.constant 0 : i32
      %broadcast_in_dim3A_180 = vector.broadcast %broadcast_in_dim3A_179 : i32 to vector<16xi32>
      %ge3A = arith.constant 250000 : i32
      %ge3A_181 = vector.broadcast %ge3A : i32 to vector<16xi32>
      %ge3A_182 = arith.cmpi sge, %get3A_177, %ge3A_181 : vector<16xi32>
      %select_n3A = arith.select %ge3A_182, %broadcast_in_dim3A_178, %broadcast_in_dim3A_180 : vector<16xi1>, vector<16xi32>
      %ge3A_183 = arith.constant 500000 : i32
      %ge3A_184 = vector.broadcast %ge3A_183 : i32 to vector<16xi32>
      %ge3A_185 = arith.cmpi sge, %get3A_177, %ge3A_184 : vector<16xi32>
      %select_n3A_186 = arith.select %ge3A_185, %broadcast_in_dim3A_178, %broadcast_in_dim3A_180 : vector<16xi1>, vector<16xi32>
      %add3A_187 = arith.addi %select_n3A, %select_n3A_186 : vector<16xi32>
      %ge3A_188 = arith.constant 750000 : i32
      %ge3A_189 = vector.broadcast %ge3A_188 : i32 to vector<16xi32>
      %ge3A_190 = arith.cmpi sge, %get3A_177, %ge3A_189 : vector<16xi32>
      %select_n3A_191 = arith.select %ge3A_190, %broadcast_in_dim3A_178, %broadcast_in_dim3A_180 : vector<16xi1>, vector<16xi32>
      %add3A_192 = arith.addi %add3A_187, %select_n3A_191 : vector<16xi32>
      %mul3A_193 = arith.constant 250000 : i32
      %mul3A_194 = vector.broadcast %mul3A_193 : i32 to vector<16xi32>
      %mul3A_195 = arith.muli %add3A_192, %mul3A_194 : vector<16xi32>
      %sub3A = arith.subi %get3A_177, %mul3A_195 : vector<16xi32>
      %mul3A_196 = arith.constant 4 : i32
      %mul3A_197 = vector.broadcast %mul3A_196 : i32 to vector<16xi32>
      %mul3A_198 = arith.muli %sub3A, %mul3A_197 : vector<16xi32>
      %add3A_199 = arith.addi %mul3A_198, %add3A_192 : vector<16xi32>
      %swap3A = arith.index_cast %mul3A_174 : i32 to index
      %swap3A_200 = tpu.vector_load %arg8[%swap3A] {strides = array<i32>} : memref<1664xi32, #tpu.memory_space<vmem>>, vector<16xi32>,
      tpu.vector_store %arg8[%swap3A], %add3A_199 {strides = array<i32>} : memref<1664xi32, #tpu.memory_space<vmem>>, vector<16xi32>,
    }
    %scan3A_75 = arith.constant 104 : i32
    %dma_start3A_76 = arith.constant 0 : i32
    %dma_start3A_77 = arith.constant 0 : i32
    %dma_start3A_78 = tpu.memref_slice %arg2[%dma_start3A_76, %dma_start3A_77] : memref<1000000x32xf32, #tpu.memory_space<hbm>> -> memref<1000000x32xf32, #tpu.memory_space<hbm>>
    tpu.enqueue_indirect_dma source(%dma_start3A_78 : memref<1000000x32xf32, #tpu.memory_space<hbm>>) target(%arg6 : memref<1664x32xf32, #tpu.memory_space<vmem>>) offsets(%arg8 : memref<1664xi32, #tpu.memory_space<vmem>>) semaphore(%arg10 : memref<!tpu.dma_semaphore, #tpu.memory_space<semaphore_mem>>)
    %dma_wait3A_79 = arith.constant 0 : i32
    %dma_wait3A_80 = arith.constant 0 : i32
    %dma_wait3A_81 = tpu.memref_slice %arg2[%dma_wait3A_79, %dma_wait3A_80] : memref<1000000x32xf32, #tpu.memory_space<hbm>> -> memref<1000000x32xf32, #tpu.memory_space<hbm>>
    tpu.wait_indirect_dma semaphore(%arg11 : memref<!tpu.dma_semaphore, #tpu.memory_space<semaphore_mem>>) src(%dma_wait3A_81 : memref<1000000x32xf32, #tpu.memory_space<hbm>>) dst(%arg7 : memref<1664x32xf32, #tpu.memory_space<vmem>>)
    %add3A_82 = arith.constant 4992 : i32
    %add3A_83 = arith.addi %mul3A_2, %add3A_82 : i32
    %dma_start3A_84 = arith.constant 0 : i32
    %dma_start3A_85 = tpu.memref_slice %arg4[%add3A_83, %dma_start3A_84] : memref<425984x32xf32, #tpu.memory_space<hbm>> -> memref<1664x32xf32, #tpu.memory_space<hbm>>
    %dma_start3A_86 = arith.constant 0 : i32
    %dma_start3A_87 = tpu.memref_slice %arg4[%add3A_83, %dma_start3A_86] : memref<425984x32xf32, #tpu.memory_space<hbm>> -> memref<1664x32xf32, #tpu.memory_space<hbm>>
    tpu.enqueue_dma source(%arg7 : memref<1664x32xf32, #tpu.memory_space<vmem>>) target(%dma_start3A_87 : memref<1664x32xf32, #tpu.memory_space<hbm>>) target_semaphore(%arg13 : memref<!tpu.dma_semaphore, #tpu.memory_space<semaphore_mem>>)
    %dma_wait3A_88 = arith.constant 0 : i32
    %dma_wait3A_89 = tpu.memref_slice %arg4[%add3A_83, %dma_wait3A_88] : memref<425984x32xf32, #tpu.memory_space<hbm>> -> memref<1664x32xf32, #tpu.memory_space<hbm>>
    %dma_wait3A_90 = arith.constant 0 : i32
    %dma_wait3A_91 = tpu.memref_slice %arg4[%add3A_83, %dma_wait3A_90] : memref<425984x32xf32, #tpu.memory_space<hbm>> -> memref<1664x32xf32, #tpu.memory_space<hbm>>
    tpu.wait_dma2 semaphore(%arg13 : memref<!tpu.dma_semaphore, #tpu.memory_space<semaphore_mem>>) src(%arg7 : memref<1664x32xf32, #tpu.memory_space<vmem>>) dst(%dma_wait3A_91 : memref<1664x32xf32, #tpu.memory_space<hbm>>)
    %scan3A_92 = arith.constant 0 : i32
    %scan3A_93 = arith.constant 104 : i32
    %scan3A_94 = arith.addi %scan3A_92, %scan3A_93 : i32
    %scan3A_95 = arith.constant 1 : i32
    scf.for %scan3A_168 = %scan3A_92 to %scan3A_94 step %scan3A_95  : i32 {
      %mul3A_169 = arith.constant 1 : i32
      %mul3A_170 = arith.muli %scan3A_168, %mul3A_169 : i32
      %add3A_171 = arith.constant 0 : i32
      %add3A_172 = arith.addi %add3A_171, %mul3A_170 : i32
      %mul3A_173 = arith.constant 16 : i32
      %mul3A_174 = arith.muli %add3A_172, %mul3A_173 : i32
      %get3A = arith.constant 5 : i32
      %get3A_175 = arith.index_cast %get3A : i32 to index
      %get3A_176 = arith.index_cast %mul3A_174 : i32 to index
      %get3A_177 = tpu.vector_load %arg5[%get3A_175, %get3A_176] {strides = array<i32>} : memref<8x1664xi32, #tpu.memory_space<vmem>>, vector<16xi32>,
      %broadcast_in_dim3A = arith.constant 1 : i32
      %broadcast_in_dim3A_178 = vector.broadcast %broadcast_in_dim3A : i32 to vector<16xi32>
      %broadcast_in_dim3A_179 = arith.constant 0 : i32
      %broadcast_in_dim3A_180 = vector.broadcast %broadcast_in_dim3A_179 : i32 to vector<16xi32>
      %ge3A = arith.constant 250000 : i32
      %ge3A_181 = vector.broadcast %ge3A : i32 to vector<16xi32>
      %ge3A_182 = arith.cmpi sge, %get3A_177, %ge3A_181 : vector<16xi32>
      %select_n3A = arith.select %ge3A_182, %broadcast_in_dim3A_178, %broadcast_in_dim3A_180 : vector<16xi1>, vector<16xi32>
      %ge3A_183 = arith.constant 500000 : i32
      %ge3A_184 = vector.broadcast %ge3A_183 : i32 to vector<16xi32>
      %ge3A_185 = arith.cmpi sge, %get3A_177, %ge3A_184 : vector<16xi32>
      %select_n3A_186 = arith.select %ge3A_185, %broadcast_in_dim3A_178, %broadcast_in_dim3A_180 : vector<16xi1>, vector<16xi32>
      %add3A_187 = arith.addi %select_n3A, %select_n3A_186 : vector<16xi32>
      %ge3A_188 = arith.constant 750000 : i32
      %ge3A_189 = vector.broadcast %ge3A_188 : i32 to vector<16xi32>
      %ge3A_190 = arith.cmpi sge, %get3A_177, %ge3A_189 : vector<16xi32>
      %select_n3A_191 = arith.select %ge3A_190, %broadcast_in_dim3A_178, %broadcast_in_dim3A_180 : vector<16xi1>, vector<16xi32>
      %add3A_192 = arith.addi %add3A_187, %select_n3A_191 : vector<16xi32>
      %mul3A_193 = arith.constant 250000 : i32
      %mul3A_194 = vector.broadcast %mul3A_193 : i32 to vector<16xi32>
      %mul3A_195 = arith.muli %add3A_192, %mul3A_194 : vector<16xi32>
      %sub3A = arith.subi %get3A_177, %mul3A_195 : vector<16xi32>
      %mul3A_196 = arith.constant 4 : i32
      %mul3A_197 = vector.broadcast %mul3A_196 : i32 to vector<16xi32>
      %mul3A_198 = arith.muli %sub3A, %mul3A_197 : vector<16xi32>
      %add3A_199 = arith.addi %mul3A_198, %add3A_192 : vector<16xi32>
      %swap3A = arith.index_cast %mul3A_174 : i32 to index
      %swap3A_200 = tpu.vector_load %arg9[%swap3A] {strides = array<i32>} : memref<1664xi32, #tpu.memory_space<vmem>>, vector<16xi32>,
      tpu.vector_store %arg9[%swap3A], %add3A_199 {strides = array<i32>} : memref<1664xi32, #tpu.memory_space<vmem>>, vector<16xi32>,
    }
    %scan3A_96 = arith.constant 104 : i32
    %dma_start3A_97 = arith.constant 0 : i32
    %dma_start3A_98 = arith.constant 0 : i32
    %dma_start3A_99 = tpu.memref_slice %arg2[%dma_start3A_97, %dma_start3A_98] : memref<1000000x32xf32, #tpu.memory_space<hbm>> -> memref<1000000x32xf32, #tpu.memory_space<hbm>>
    tpu.enqueue_indirect_dma source(%dma_start3A_99 : memref<1000000x32xf32, #tpu.memory_space<hbm>>) target(%arg7 : memref<1664x32xf32, #tpu.memory_space<vmem>>) offsets(%arg9 : memref<1664xi32, #tpu.memory_space<vmem>>) semaphore(%arg11 : memref<!tpu.dma_semaphore, #tpu.memory_space<semaphore_mem>>)
    %dma_wait3A_100 = arith.constant 0 : i32
    %dma_wait3A_101 = arith.constant 0 : i32
    %dma_wait3A_102 = tpu.memref_slice %arg2[%dma_wait3A_100, %dma_wait3A_101] : memref<1000000x32xf32, #tpu.memory_space<hbm>> -> memref<1000000x32xf32, #tpu.memory_space<hbm>>
    tpu.wait_indirect_dma semaphore(%arg10 : memref<!tpu.dma_semaphore, #tpu.memory_space<semaphore_mem>>) src(%dma_wait3A_102 : memref<1000000x32xf32, #tpu.memory_space<hbm>>) dst(%arg6 : memref<1664x32xf32, #tpu.memory_space<vmem>>)
    %add3A_103 = arith.constant 6656 : i32
    %add3A_104 = arith.addi %mul3A_2, %add3A_103 : i32
    %dma_start3A_105 = arith.constant 0 : i32
    %dma_start3A_106 = tpu.memref_slice %arg4[%add3A_104, %dma_start3A_105] : memref<425984x32xf32, #tpu.memory_space<hbm>> -> memref<1664x32xf32, #tpu.memory_space<hbm>>
    %dma_start3A_107 = arith.constant 0 : i32
    %dma_start3A_108 = tpu.memref_slice %arg4[%add3A_104, %dma_start3A_107] : memref<425984x32xf32, #tpu.memory_space<hbm>> -> memref<1664x32xf32, #tpu.memory_space<hbm>>
    tpu.enqueue_dma source(%arg6 : memref<1664x32xf32, #tpu.memory_space<vmem>>) target(%dma_start3A_108 : memref<1664x32xf32, #tpu.memory_space<hbm>>) target_semaphore(%arg12 : memref<!tpu.dma_semaphore, #tpu.memory_space<semaphore_mem>>)
    %dma_wait3A_109 = arith.constant 0 : i32
    %dma_wait3A_110 = tpu.memref_slice %arg4[%add3A_104, %dma_wait3A_109] : memref<425984x32xf32, #tpu.memory_space<hbm>> -> memref<1664x32xf32, #tpu.memory_space<hbm>>
    %dma_wait3A_111 = arith.constant 0 : i32
    %dma_wait3A_112 = tpu.memref_slice %arg4[%add3A_104, %dma_wait3A_111] : memref<425984x32xf32, #tpu.memory_space<hbm>> -> memref<1664x32xf32, #tpu.memory_space<hbm>>
    tpu.wait_dma2 semaphore(%arg12 : memref<!tpu.dma_semaphore, #tpu.memory_space<semaphore_mem>>) src(%arg6 : memref<1664x32xf32, #tpu.memory_space<vmem>>) dst(%dma_wait3A_112 : memref<1664x32xf32, #tpu.memory_space<hbm>>)
    %scan3A_113 = arith.constant 0 : i32
    %scan3A_114 = arith.constant 104 : i32
    %scan3A_115 = arith.addi %scan3A_113, %scan3A_114 : i32
    %scan3A_116 = arith.constant 1 : i32
    scf.for %scan3A_168 = %scan3A_113 to %scan3A_115 step %scan3A_116  : i32 {
      %mul3A_169 = arith.constant 1 : i32
      %mul3A_170 = arith.muli %scan3A_168, %mul3A_169 : i32
      %add3A_171 = arith.constant 0 : i32
      %add3A_172 = arith.addi %add3A_171, %mul3A_170 : i32
      %mul3A_173 = arith.constant 16 : i32
      %mul3A_174 = arith.muli %add3A_172, %mul3A_173 : i32
      %get3A = arith.constant 6 : i32
      %get3A_175 = arith.index_cast %get3A : i32 to index
      %get3A_176 = arith.index_cast %mul3A_174 : i32 to index
      %get3A_177 = tpu.vector_load %arg5[%get3A_175, %get3A_176] {strides = array<i32>} : memref<8x1664xi32, #tpu.memory_space<vmem>>, vector<16xi32>,
      %broadcast_in_dim3A = arith.constant 1 : i32
      %broadcast_in_dim3A_178 = vector.broadcast %broadcast_in_dim3A : i32 to vector<16xi32>
      %broadcast_in_dim3A_179 = arith.constant 0 : i32
      %broadcast_in_dim3A_180 = vector.broadcast %broadcast_in_dim3A_179 : i32 to vector<16xi32>
      %ge3A = arith.constant 250000 : i32
      %ge3A_181 = vector.broadcast %ge3A : i32 to vector<16xi32>
      %ge3A_182 = arith.cmpi sge, %get3A_177, %ge3A_181 : vector<16xi32>
      %select_n3A = arith.select %ge3A_182, %broadcast_in_dim3A_178, %broadcast_in_dim3A_180 : vector<16xi1>, vector<16xi32>
      %ge3A_183 = arith.constant 500000 : i32
      %ge3A_184 = vector.broadcast %ge3A_183 : i32 to vector<16xi32>
      %ge3A_185 = arith.cmpi sge, %get3A_177, %ge3A_184 : vector<16xi32>
      %select_n3A_186 = arith.select %ge3A_185, %broadcast_in_dim3A_178, %broadcast_in_dim3A_180 : vector<16xi1>, vector<16xi32>
      %add3A_187 = arith.addi %select_n3A, %select_n3A_186 : vector<16xi32>
      %ge3A_188 = arith.constant 750000 : i32
      %ge3A_189 = vector.broadcast %ge3A_188 : i32 to vector<16xi32>
      %ge3A_190 = arith.cmpi sge, %get3A_177, %ge3A_189 : vector<16xi32>
      %select_n3A_191 = arith.select %ge3A_190, %broadcast_in_dim3A_178, %broadcast_in_dim3A_180 : vector<16xi1>, vector<16xi32>
      %add3A_192 = arith.addi %add3A_187, %select_n3A_191 : vector<16xi32>
      %mul3A_193 = arith.constant 250000 : i32
      %mul3A_194 = vector.broadcast %mul3A_193 : i32 to vector<16xi32>
      %mul3A_195 = arith.muli %add3A_192, %mul3A_194 : vector<16xi32>
      %sub3A = arith.subi %get3A_177, %mul3A_195 : vector<16xi32>
      %mul3A_196 = arith.constant 4 : i32
      %mul3A_197 = vector.broadcast %mul3A_196 : i32 to vector<16xi32>
      %mul3A_198 = arith.muli %sub3A, %mul3A_197 : vector<16xi32>
      %add3A_199 = arith.addi %mul3A_198, %add3A_192 : vector<16xi32>
      %swap3A = arith.index_cast %mul3A_174 : i32 to index
      %swap3A_200 = tpu.vector_load %arg8[%swap3A] {strides = array<i32>} : memref<1664xi32, #tpu.memory_space<vmem>>, vector<16xi32>,
      tpu.vector_store %arg8[%swap3A], %add3A_199 {strides = array<i32>} : memref<1664xi32, #tpu.memory_space<vmem>>, vector<16xi32>,
    }
    %scan3A_117 = arith.constant 104 : i32
    %dma_start3A_118 = arith.constant 0 : i32
    %dma_start3A_119 = arith.constant 0 : i32
    %dma_start3A_120 = tpu.memref_slice %arg2[%dma_start3A_118, %dma_start3A_119] : memref<1000000x32xf32, #tpu.memory_space<hbm>> -> memref<1000000x32xf32, #tpu.memory_space<hbm>>
    tpu.enqueue_indirect_dma source(%dma_start3A_120 : memref<1000000x32xf32, #tpu.memory_space<hbm>>) target(%arg6 : memref<1664x32xf32, #tpu.memory_space<vmem>>) offsets(%arg8 : memref<1664xi32, #tpu.memory_space<vmem>>) semaphore(%arg10 : memref<!tpu.dma_semaphore, #tpu.memory_space<semaphore_mem>>)
    %dma_wait3A_121 = arith.constant 0 : i32
    %dma_wait3A_122 = arith.constant 0 : i32
    %dma_wait3A_123 = tpu.memref_slice %arg2[%dma_wait3A_121, %dma_wait3A_122] : memref<1000000x32xf32, #tpu.memory_space<hbm>> -> memref<1000000x32xf32, #tpu.memory_space<hbm>>
    tpu.wait_indirect_dma semaphore(%arg11 : memref<!tpu.dma_semaphore, #tpu.memory_space<semaphore_mem>>) src(%dma_wait3A_123 : memref<1000000x32xf32, #tpu.memory_space<hbm>>) dst(%arg7 : memref<1664x32xf32, #tpu.memory_space<vmem>>)
    %add3A_124 = arith.constant 8320 : i32
    %add3A_125 = arith.addi %mul3A_2, %add3A_124 : i32
    %dma_start3A_126 = arith.constant 0 : i32
    %dma_start3A_127 = tpu.memref_slice %arg4[%add3A_125, %dma_start3A_126] : memref<425984x32xf32, #tpu.memory_space<hbm>> -> memref<1664x32xf32, #tpu.memory_space<hbm>>
    %dma_start3A_128 = arith.constant 0 : i32
    %dma_start3A_129 = tpu.memref_slice %arg4[%add3A_125, %dma_start3A_128] : memref<425984x32xf32, #tpu.memory_space<hbm>> -> memref<1664x32xf32, #tpu.memory_space<hbm>>
    tpu.enqueue_dma source(%arg7 : memref<1664x32xf32, #tpu.memory_space<vmem>>) target(%dma_start3A_129 : memref<1664x32xf32, #tpu.memory_space<hbm>>) target_semaphore(%arg13 : memref<!tpu.dma_semaphore, #tpu.memory_space<semaphore_mem>>)
    %dma_wait3A_130 = arith.constant 0 : i32
    %dma_wait3A_131 = tpu.memref_slice %arg4[%add3A_125, %dma_wait3A_130] : memref<425984x32xf32, #tpu.memory_space<hbm>> -> memref<1664x32xf32, #tpu.memory_space<hbm>>
    %dma_wait3A_132 = arith.constant 0 : i32
    %dma_wait3A_133 = tpu.memref_slice %arg4[%add3A_125, %dma_wait3A_132] : memref<425984x32xf32, #tpu.memory_space<hbm>> -> memref<1664x32xf32, #tpu.memory_space<hbm>>
    tpu.wait_dma2 semaphore(%arg13 : memref<!tpu.dma_semaphore, #tpu.memory_space<semaphore_mem>>) src(%arg7 : memref<1664x32xf32, #tpu.memory_space<vmem>>) dst(%dma_wait3A_133 : memref<1664x32xf32, #tpu.memory_space<hbm>>)
    %scan3A_134 = arith.constant 0 : i32
    %scan3A_135 = arith.constant 104 : i32
    %scan3A_136 = arith.addi %scan3A_134, %scan3A_135 : i32
    %scan3A_137 = arith.constant 1 : i32
    scf.for %scan3A_168 = %scan3A_134 to %scan3A_136 step %scan3A_137  : i32 {
      %mul3A_169 = arith.constant 1 : i32
      %mul3A_170 = arith.muli %scan3A_168, %mul3A_169 : i32
      %add3A_171 = arith.constant 0 : i32
      %add3A_172 = arith.addi %add3A_171, %mul3A_170 : i32
      %mul3A_173 = arith.constant 16 : i32
      %mul3A_174 = arith.muli %add3A_172, %mul3A_173 : i32
      %get3A = arith.constant 7 : i32
      %get3A_175 = arith.index_cast %get3A : i32 to index
      %get3A_176 = arith.index_cast %mul3A_174 : i32 to index
      %get3A_177 = tpu.vector_load %arg5[%get3A_175, %get3A_176] {strides = array<i32>} : memref<8x1664xi32, #tpu.memory_space<vmem>>, vector<16xi32>,
      %broadcast_in_dim3A = arith.constant 1 : i32
      %broadcast_in_dim3A_178 = vector.broadcast %broadcast_in_dim3A : i32 to vector<16xi32>
      %broadcast_in_dim3A_179 = arith.constant 0 : i32
      %broadcast_in_dim3A_180 = vector.broadcast %broadcast_in_dim3A_179 : i32 to vector<16xi32>
      %ge3A = arith.constant 250000 : i32
      %ge3A_181 = vector.broadcast %ge3A : i32 to vector<16xi32>
      %ge3A_182 = arith.cmpi sge, %get3A_177, %ge3A_181 : vector<16xi32>
      %select_n3A = arith.select %ge3A_182, %broadcast_in_dim3A_178, %broadcast_in_dim3A_180 : vector<16xi1>, vector<16xi32>
      %ge3A_183 = arith.constant 500000 : i32
      %ge3A_184 = vector.broadcast %ge3A_183 : i32 to vector<16xi32>
      %ge3A_185 = arith.cmpi sge, %get3A_177, %ge3A_184 : vector<16xi32>
      %select_n3A_186 = arith.select %ge3A_185, %broadcast_in_dim3A_178, %broadcast_in_dim3A_180 : vector<16xi1>, vector<16xi32>
      %add3A_187 = arith.addi %select_n3A, %select_n3A_186 : vector<16xi32>
      %ge3A_188 = arith.constant 750000 : i32
      %ge3A_189 = vector.broadcast %ge3A_188 : i32 to vector<16xi32>
      %ge3A_190 = arith.cmpi sge, %get3A_177, %ge3A_189 : vector<16xi32>
      %select_n3A_191 = arith.select %ge3A_190, %broadcast_in_dim3A_178, %broadcast_in_dim3A_180 : vector<16xi1>, vector<16xi32>
      %add3A_192 = arith.addi %add3A_187, %select_n3A_191 : vector<16xi32>
      %mul3A_193 = arith.constant 250000 : i32
      %mul3A_194 = vector.broadcast %mul3A_193 : i32 to vector<16xi32>
      %mul3A_195 = arith.muli %add3A_192, %mul3A_194 : vector<16xi32>
      %sub3A = arith.subi %get3A_177, %mul3A_195 : vector<16xi32>
      %mul3A_196 = arith.constant 4 : i32
      %mul3A_197 = vector.broadcast %mul3A_196 : i32 to vector<16xi32>
      %mul3A_198 = arith.muli %sub3A, %mul3A_197 : vector<16xi32>
      %add3A_199 = arith.addi %mul3A_198, %add3A_192 : vector<16xi32>
      %swap3A = arith.index_cast %mul3A_174 : i32 to index
      %swap3A_200 = tpu.vector_load %arg9[%swap3A] {strides = array<i32>} : memref<1664xi32, #tpu.memory_space<vmem>>, vector<16xi32>,
      tpu.vector_store %arg9[%swap3A], %add3A_199 {strides = array<i32>} : memref<1664xi32, #tpu.memory_space<vmem>>, vector<16xi32>,
    }
    %scan3A_138 = arith.constant 104 : i32
    %dma_start3A_139 = arith.constant 0 : i32
    %dma_start3A_140 = arith.constant 0 : i32
    %dma_start3A_141 = tpu.memref_slice %arg2[%dma_start3A_139, %dma_start3A_140] : memref<1000000x32xf32, #tpu.memory_space<hbm>> -> memref<1000000x32xf32, #tpu.memory_space<hbm>>
    tpu.enqueue_indirect_dma source(%dma_start3A_141 : memref<1000000x32xf32, #tpu.memory_space<hbm>>) target(%arg7 : memref<1664x32xf32, #tpu.memory_space<vmem>>) offsets(%arg9 : memref<1664xi32, #tpu.memory_space<vmem>>) semaphore(%arg11 : memref<!tpu.dma_semaphore, #tpu.memory_space<semaphore_mem>>)
    %dma_wait3A_142 = arith.constant 0 : i32
    %dma_wait3A_143 = arith.constant 0 : i32
    %dma_wait3A_144 = tpu.memref_slice %arg2[%dma_wait3A_142, %dma_wait3A_143] : memref<1000000x32xf32, #tpu.memory_space<hbm>> -> memref<1000000x32xf32, #tpu.memory_space<hbm>>
    tpu.wait_indirect_dma semaphore(%arg10 : memref<!tpu.dma_semaphore, #tpu.memory_space<semaphore_mem>>) src(%dma_wait3A_144 : memref<1000000x32xf32, #tpu.memory_space<hbm>>) dst(%arg6 : memref<1664x32xf32, #tpu.memory_space<vmem>>)
    %add3A_145 = arith.constant 9984 : i32
    %add3A_146 = arith.addi %mul3A_2, %add3A_145 : i32
    %dma_start3A_147 = arith.constant 0 : i32
    %dma_start3A_148 = tpu.memref_slice %arg4[%add3A_146, %dma_start3A_147] : memref<425984x32xf32, #tpu.memory_space<hbm>> -> memref<1664x32xf32, #tpu.memory_space<hbm>>
    %dma_start3A_149 = arith.constant 0 : i32
    %dma_start3A_150 = tpu.memref_slice %arg4[%add3A_146, %dma_start3A_149] : memref<425984x32xf32, #tpu.memory_space<hbm>> -> memref<1664x32xf32, #tpu.memory_space<hbm>>
    tpu.enqueue_dma source(%arg6 : memref<1664x32xf32, #tpu.memory_space<vmem>>) target(%dma_start3A_150 : memref<1664x32xf32, #tpu.memory_space<hbm>>) target_semaphore(%arg12 : memref<!tpu.dma_semaphore, #tpu.memory_space<semaphore_mem>>)
    %dma_wait3A_151 = arith.constant 0 : i32
    %dma_wait3A_152 = arith.constant 0 : i32
    %dma_wait3A_153 = tpu.memref_slice %arg2[%dma_wait3A_151, %dma_wait3A_152] : memref<1000000x32xf32, #tpu.memory_space<hbm>> -> memref<1000000x32xf32, #tpu.memory_space<hbm>>
    tpu.wait_indirect_dma semaphore(%arg11 : memref<!tpu.dma_semaphore, #tpu.memory_space<semaphore_mem>>) src(%dma_wait3A_153 : memref<1000000x32xf32, #tpu.memory_space<hbm>>) dst(%arg7 : memref<1664x32xf32, #tpu.memory_space<vmem>>)
    %add3A_154 = arith.constant 11648 : i32
    %add3A_155 = arith.addi %mul3A_2, %add3A_154 : i32
    %dma_start3A_156 = arith.constant 0 : i32
    %dma_start3A_157 = tpu.memref_slice %arg4[%add3A_155, %dma_start3A_156] : memref<425984x32xf32, #tpu.memory_space<hbm>> -> memref<1664x32xf32, #tpu.memory_space<hbm>>
    %dma_start3A_158 = arith.constant 0 : i32
    %dma_start3A_159 = tpu.memref_slice %arg4[%add3A_155, %dma_start3A_158] : memref<425984x32xf32, #tpu.memory_space<hbm>> -> memref<1664x32xf32, #tpu.memory_space<hbm>>
    tpu.enqueue_dma source(%arg7 : memref<1664x32xf32, #tpu.memory_space<vmem>>) target(%dma_start3A_159 : memref<1664x32xf32, #tpu.memory_space<hbm>>) target_semaphore(%arg13 : memref<!tpu.dma_semaphore, #tpu.memory_space<semaphore_mem>>)
    %dma_wait3A_160 = arith.constant 0 : i32
    %dma_wait3A_161 = tpu.memref_slice %arg4[%add3A_146, %dma_wait3A_160] : memref<425984x32xf32, #tpu.memory_space<hbm>> -> memref<1664x32xf32, #tpu.memory_space<hbm>>
    %dma_wait3A_162 = arith.constant 0 : i32
    %dma_wait3A_163 = tpu.memref_slice %arg4[%add3A_146, %dma_wait3A_162] : memref<425984x32xf32, #tpu.memory_space<hbm>> -> memref<1664x32xf32, #tpu.memory_space<hbm>>
    tpu.wait_dma2 semaphore(%arg12 : memref<!tpu.dma_semaphore, #tpu.memory_space<semaphore_mem>>) src(%arg6 : memref<1664x32xf32, #tpu.memory_space<vmem>>) dst(%dma_wait3A_163 : memref<1664x32xf32, #tpu.memory_space<hbm>>)
    %dma_wait3A_164 = arith.constant 0 : i32
    %dma_wait3A_165 = tpu.memref_slice %arg4[%add3A_155, %dma_wait3A_164] : memref<425984x32xf32, #tpu.memory_space<hbm>> -> memref<1664x32xf32, #tpu.memory_space<hbm>>
    %dma_wait3A_166 = arith.constant 0 : i32
    %dma_wait3A_167 = tpu.memref_slice %arg4[%add3A_155, %dma_wait3A_166] : memref<425984x32xf32, #tpu.memory_space<hbm>> -> memref<1664x32xf32, #tpu.memory_space<hbm>>
    tpu.wait_dma2 semaphore(%arg13 : memref<!tpu.dma_semaphore, #tpu.memory_space<semaphore_mem>>) src(%arg7 : memref<1664x32xf32, #tpu.memory_space<vmem>>) dst(%dma_wait3A_167 : memref<1664x32xf32, #tpu.memory_space<hbm>>)
    return
  }
}

</mosaic_0001>

<sc_bundles>
// kernel: kernel.3.cloned.1.call-start
scs
__scs_entry_jumppad:
0x0: {  	(pc) =	sbr.rel $0x88, $3  }
0x1: {  	(tag) =	ssettag $0x0;
	lr =	simm.s32 $0x1  }
0x2: {  	[smem:$0x3F9F] =	sst lr;
	_ =	strace $0xD0000000  }
0x3: {  	_ = 	snop  }
0x4: {  	_ = 	snop  }
0x5: {  	_ = 	snop  }
0x6: {  	_ = 	snop  }
0x7: {  	_ = 	snop  }
__scs_overlays_trampoline_lowered:
0x8: {  	[smem:$0x3FAE] =	sst s0  }
0x9: {  	[smem:$0x3FAF] =	sst s1  }
0xa: {  	[smem:$0x3FB0] =	sst s2  }
0xb: {  	[smem:$0x3FB1] =	sst s3  }
0xc: {  	[smem:$0x3FB2] =	sst s4  }
0xd: {  	[smem:$0x3FB3] =	sst s5  }
0xe: {  	[smem:$0x3FB4] =	sst s6  }
0xf: {  	[smem:$0x3FB5] =	sst s7  }
0x10: {  	[smem:$0x3FB6] =	sst s8  }
0x11: {  	[smem:$0x3FB7] =	sst s9;
	s0 =	simm.s32 @!p0 $0x0  }
0x12: {  	s1 =	sld [smem:$0x3F9D];
	s0 =	simm.s32 @p0 $0x1  }
0x13: {  	[smem:$0x3FB8] =	sst s0;
	s0 =	simm.s32 @!p1 $0x0  }
0x14: {  	s2 =	sld [smem:$0x3F9C];
	s0 =	simm.s32 @p1 $0x1  }
0x15: {  	[smem:$0x3FB9] =	sst s0;
	s0 =	simm.s32 @!p2 $0x0  }
0x16: {  	s3 =	sld [smem:$0x3FDB];
	s0 =	simm.s32 @p2 $0x1  }
0x17: {  	s4 =	simm.s32 $0x1BF5;
	[smem:$0x3FBB] =	sst s0  }
0x18: {  	s0 =	sld [smem:$0x3F9E];
	_ =	swait.ge [sflag:s4], $0x0  }
0x19: {  	s7 =	sld [smem:$0x3F9F]  }
0x1a: {  	s8 =	sadd.s32 $0xFFFFE003, lr  }
0x1b: {  	s9 =	sadd.s32 $0xFFFFFEF7, lr;
	s5 =	simm.s32 $0xFFFFFFFF;
	p2 =	slt.u32 s8, $0xFFFFF086  }
0x1c: {  	p1 =	slt.u32 s9, $0xF7A;
	s5 =	simm.s32 @!p2 $0x0  }
0x1d: {  	s5 =	simm.s32 @p1 $0x1;
	p0 =	seq.s32 s7, s2  }
0x1e: {  	s7 =	smul.u32 @!p0 $0xF7A, s2;
	p2 =	seq.s32 @!p0 s5, $0x0  }
0x1f: {  	s9 =	smul.u32 $0xF7A, s1;
	s8 =	simm.s32 @!p0 $0x1BF5;
	p2 =	por !p2, p0  }
0x20: {  	[sflag:s8] =	ssyncset.s32 @!p0 $0xFFFFF086;
	s6 =	sadd.s32 @!p0 s3, s7;
	s7 =	simm.s32 @!p0 $0x108  }
0x21: {  	s3 =	sadd.s32 s3, s9;
	s6 =	sadd.s32 @!p0 $0x88, s6;
	s7 =	simm.s32 @p2 $0x1082  }
0x22: {  	[simem:s7], [sflag:s8] =	dma.local @!p0 [hbm:s6], $0xF7A  }
0x23: {  	s9 =	sor.u32 $0xD0000000, s2;
	s6 =	simm.s32 $0x108;
	_ =	swait.ge @!p0 [sflag:s8], $0x0  }
0x24: {  	s3 =	sadd.s32 $0x88, s3;
	s6 =	simm.s32 @!p1 $0x1082;
	[sflag:s4] =	ssyncset.s32 $0xFFFFF086  }
0x25: {  	[simem:s6], [sflag:s4] =	dma.local [hbm:s3], $0xF7A  }
0x26: {  	[smem:$0x3F9F] =	sst s1;
	(tag) =	ssettag s2;
	_ =	strace s9  }
0x27: {  	s1 =	sld [smem:$0x3FAF]  }
0x28: {  	s2 =	sld [smem:$0x3FB0]  }
0x29: {  	s4 =	sld [smem:$0x3FB2]  }
0x2a: {  	p0 =	seq.s32 s5, $0x0;
	s5 =	sld [smem:$0x3FB3]  }
0x2b: {  	s6 =	sld [smem:$0x3FB4]  }
0x2c: {  	s7 =	sld [smem:$0x3FB5]  }
0x2d: {  	s3 =	simm.s32 $0x108;
	s8 =	sld [smem:$0x3FB6]  }
0x2e: {  	s3 =	simm.s32 @!p0 $0x1082;
	s9 =	sld [smem:$0x3FB7]  }
0x2f: {  	lr =	sadd.s32 s0, s3;
	s0 =	sld [smem:$0x3FAE]  }
0x30: {  	s3 =	sld [smem:$0x3FB1]  }
0x31: {  	[smem:$0x3FBA] =	sst s10  }
0x32: {  	s10 =	sld [smem:$0x3FB8];
	_ =	sdelay $0x3  }
0x33: {  	p0 =	seq.s32 s10, $0x1;
	s10 =	sld [smem:$0x3FBA];
	_ =	sdelay $0x3  }
0x34: {  	[smem:$0x3FBA] =	sst s10  }
0x35: {  	s10 =	sld [smem:$0x3FB9];
	_ =	sdelay $0x3  }
0x36: {  	p1 =	seq.s32 s10, $0x1;
	s10 =	sld [smem:$0x3FBA];
	_ =	sdelay $0x3  }
0x37: {  	[smem:$0x3FBA] =	sst s10  }
0x38: {  	s10 =	sld [smem:$0x3FBB]  }
0x39: {  	_ = 	snop;
	(pc) =	sbr.ind lr, $3  }
0x3a: {  	_ = 	snop  }
0x3b: {  	_ = 	snop  }
0x3c: {  	p2 =	seq.s32 s10, $0x1;
	s10 =	sld [smem:$0x3FBA]  }
0x3d: {  	_ =	shalt  }
0x3e: {  	_ =	shalt  }
0x3f: {  	_ =	shalt  }
0x40: {  	_ =	shalt  }
0x41: {  	_ =	shalt  }
0x42: {  	_ =	shalt  }
0x43: {  	_ =	shalt  }
0x44: {  	_ =	shalt  }
0x45: {  	_ =	shalt  }
0x46: {  	_ =	shalt  }
0x47: {  	_ =	shalt  }
0x48: {  	_ =	shalt  }
0x49: {  	_ =	shalt  }
0x4a: {  	_ =	shalt  }
0x4b: {  	_ =	shalt  }
0x4c: {  	_ =	shalt  }
0x4d: {  	_ =	shalt  }
0x4e: {  	_ =	shalt  }
0x4f: {  	_ =	shalt  }
0x50: {  	_ =	shalt  }
0x51: {  	_ =	shalt  }
0x52: {  	_ =	shalt  }
0x53: {  	_ =	shalt  }
0x54: {  	_ =	shalt  }
0x55: {  	_ =	shalt  }
0x56: {  	_ =	shalt  }
0x57: {  	_ =	shalt  }
0x58: {  	_ =	shalt  }
0x59: {  	_ =	shalt  }
0x5a: {  	_ =	shalt  }
0x5b: {  	_ =	shalt  }
0x5c: {  	_ =	shalt  }
0x5d: {  	_ =	shalt  }
0x5e: {  	_ =	shalt  }
0x5f: {  	_ =	shalt  }
0x60: {  	_ =	shalt  }
0x61: {  	_ =	shalt  }
0x62: {  	_ =	shalt  }
0x63: {  	_ =	shalt  }
0x64: {  	_ =	shalt  }
0x65: {  	_ =	shalt  }
0x66: {  	_ =	shalt  }
0x67: {  	_ =	shalt  }
0x68: {  	_ =	shalt  }
0x69: {  	_ =	shalt  }
0x6a: {  	_ =	shalt  }
0x6b: {  	_ =	shalt  }
0x6c: {  	_ =	shalt  }
0x6d: {  	_ =	shalt  }
0x6e: {  	_ =	shalt  }
0x6f: {  	_ =	shalt  }
0x70: {  	_ =	shalt  }
0x71: {  	_ =	shalt  }
0x72: {  	_ =	shalt  }
0x73: {  	_ =	shalt  }
0x74: {  	_ =	shalt  }
0x75: {  	_ =	shalt  }
0x76: {  	_ =	shalt  }
0x77: {  	_ =	shalt  }
0x78: {  	_ =	shalt  }
0x79: {  	_ =	shalt  }
0x7a: {  	_ =	shalt  }
0x7b: {  	_ =	shalt  }
0x7c: {  	_ =	shalt  }
0x7d: {  	_ =	shalt  }
0x7e: {  	_ =	shalt  }
0x7f: {  	_ =	shalt  }
0x80: {  	_ =	shalt  }
0x81: {  	_ =	shalt  }
0x82: {  	_ =	shalt  }
0x83: {  	_ =	shalt  }
0x84: {  	_ =	shalt  }
0x85: {  	_ =	shalt  }
0x86: {  	_ =	shalt  }
0x87: {  	_ =	shalt  }
.Lfunc_end0:
.L_simem_size_0:
called_computation.2_lowered:
.L_overlay_start_0:
0x88: {  	s2 =	sld [smem:$0x3FD9]  }
0x89: {  	s3 =	sld [smem:$0x3FFE];
	_ =	sdelay $0x1  }
0x8a: {  	s1 =	srdreg.scid  }
0x8b: {  	s0 =	sand.u32 $0x1, s1  }
0x8c: {  	s17 =	sshll.u32 s0, $0xA;
	s2 =	sadd.s32 s3, s2  }
0x8d: {  	s2 =	sadd.s32 s2, s17  }
0x8e: {  	[smem:$0x3FC6] =	sst s2  }
0x8f: {  	_ = 	snop  }
0x90: {  	s2 =	sld [smem:$0x3FD0];
	(tm) =	ssettm $0x1  }
0x91: {  	s18 =	sld [smem:$0x3FFB];
	_ =	sdelay $0x3  }
0x92: {  	_ =	strace s18  }
0x93: {  	s3 =	sld [smem:$0x3FFC];
	_ =	sdelay $0x3  }
0x94: {  	_ =	strace s3  }
0x95: {  	s3 =	sld [smem:$0x3FFD];
	_ =	sdelay $0x3  }
0x96: {  	_ =	strace s3  }
0x97: {  	_ =	strace $0x8FFFFFFF  }
0x98: {  	s19 =	sld [smem:$0x3FDB];
	_ =	sdelay $0x1  }
0x99: {  	s4 =	simm.s32 $_scs_section_size  }
0x9a: {  	s5 =	simm.s32 $_size__tile_overlayer_lowered;
	s6 =	simm.s32 $_tile_overlayer_lowered  }
0x9b: {  	s22 =	simm.s32 $0x1BFF;
	s21 =	sshll.u32 s6, $0x1;
	s3 =	sadd.s32 s4, s19  }
0x9c: {  	s7 =	simm.s32 $0x0;
	s20 =	sshll.u32 s5, $0x1;
	s5 =	sadd.s32 s21, s3  }
0x9d: {  	[timem:s7], [sflag:s22] =	dma.local [hbm:s5], s20  }
0x9e: {  	_ =	swait.ge [sflag:s22], s20  }
0x9f: {  	s4 =	ssub.s32 $0x0, s20;
	[sflag:s22] =	ssyncset.done $0x0  }
0xa0: {  	[sflag:s22] =	ssyncadd.s32 s4;
	_ =	sdelay $0x1  }
0xa1: {  	s23 =	simm.s32 $0x1B8B  }
0xa2: {  	_ =	swait.ge [sflag:s23], $0x1  }
0xa3: {  	[sflag:s23] =	ssyncset.done $0x0  }
0xa4: {  	s25 =	simm.s32 $0x1B8E;
	s24 =	sld [smem:$0x3FFE];
	[sflag:s23] =	ssyncadd.s32 $0xFFFFFFFF  }
0xa5: {  	s26 =	simm.s32 $execute0_lowered;
	[smem:$0x3FD2] =	sst s25  }
0xa6: {  	s5 =	sshll.u32 s26, $0x1;
	_ =	strace $0x80000049;
	[dreg:$0x1] =	wrdreg $0xFFFFFFFF  }
0xa7: {  	s28 =	simm.s32 $_size_execute0_lowered;
	s3 =	sadd.s32 s3, s5;
	[dreg:$0x0] =	wrdreg $0x0  }
0xa8: {  	s5 =	sshll.u32 s28, $0x1;
	[dreg:$0x2] =	wrdreg s3  }
0xa9: {  	[dreg:$0x3] =	wrdreg s5  }
0xaa: {  	[dreg:$0x4] =	wrdreg $0xC0  }
0xab: {  	_ =	task [dreg:s7], $0x5FFFF  }
0xac: {  	[dreg:$0x1] =	wrdreg $0xFFFFFFFF  }
0xad: {  	[dreg:$0x0] =	wrdreg $0x60  }
0xae: {  	[dreg:$0x2] =	wrdreg s24  }
0xaf: {  	[dreg:$0x3] =	wrdreg s2  }
0xb0: {  	[dreg:$0x4] =	wrdreg $0x9  }
0xb1: {  	_ =	task.clear_ibuf [dreg:s7], $0x5FFFF;
	_ =	strace $0x90000049  }
0xb2: {  	s29 =	simm.s32 $0x9;
	_ =	strace $0x8000004B  }
0xb3: {  	_ =	swait.ge [sflag:s29], $0x1  }
0xb4: {  	[sflag:s29] =	ssyncadd.s32 $0xFFFFFFFF  }
0xb5: {  	_ =	strace $0x9000004B  }
0xb6: {  	_ =	sfence  }
0xb7: {  	s30 =	sld [smem:$0x0];
	_ =	sdelay $0x2  }
0xb8: {  	s31 =	sshll.u32 s1, $0xD;
	s1 =	sshrl.u32 s1, $0x2  }
0xb9: {  	s3 =	sand.u32 $0x4000, s31;
	s1 =	sadd.s32 s1, s30  }
0xba: {  	s0 =	sor.u32 s3, s0;
	s1 =	sshll.u32 s1, $0x11  }
0xbb: {  	s0 =	sor.u32 s1, s0  }
0xbc: {  	s0 =	sadd.s32 $0x8F2B, s0  }
0xbd: {  	[sflag:s0] =	ssyncadd.remote.s32 $0x1  }
0xbe: {  	_ =	sfence.sel $0xFFFF  }
0xbf: {  	[dreg:$0x0] =	wrdreg $0xFFFFFFFF;
	(pc) =	sbr.abs _section_cstart, $3  }
0xc0: {  	[dreg:$0x1] =	wrdreg $0xFFFFFFFF  }
0xc1: {  	_ =	task.clear_ibuf [dreg:s7], $0x2FFFF;
	_ =	strace $0x9FFFFFFF  }
0xc2: {  	(tm) =	ssettm $0x7FFFFFFF  }
0xc3: {  	_ =	shalt  }
tec
execute0_lowered:
.L_overlay_start_1:
0x0: {  	(tag) =	ssettag $0x1  }
0x1: {  	s4 =	rddreg [dreg:$0x0]  }
0x2: {  	s5 =	rddreg [dreg:$0x1]  }
0x3: {  	s0 =	rddreg [dreg:$0x2]  }
0x4: {  	s3 =	srdreg.scid;
	s1 =	stileid.u32;
	s2 =	simm.s32 $0x0  }
0x5: {  	s14 =	simm.s32 $0x5;
	s15 =	simm.s32 $0x680;
	s16 =	simm.s32 $0x1D400  }
0x6: {  	s17 =	simm.s32 $0x3400;
	s18 =	simm.s32 $0x1DA80;
	s19 =	simm.s32 $0x10400  }
0x7: {  	s20 =	simm.s32 $0x1;
	s21 =	simm.s32 $0x3;
	s22 =	simm.s32 $0x2  }
0x8: {  	s23 =	simm.s32 $0x4;
	s6 =	sand.u32 $0x1, s3;
	s31 =	sshll.u32 s1, $0x1  }
0x9: {  	s24 =	simm.s32 $0x0;
	[smem:$0x7FF] =	sst s2;
	s7 =	sor.u32 s6, s31  }
0xa: {  	s3 =	sadd.s32 $0xE00, s4;
	s6 =	ssub.s32 $0x2, s6;
	s8 =	smul.u32 $0x68000, s7  }
0xb: {  	_ =	strace $0x8000004A;
	s9 =	smul.u32 $0x680, s7;
	s10 =	sshrl.u32 s6, $0x1  }
0xc: {  	s7 =	smul.u32 $0xD000, s7;
	s13 =	ssub.s32 s6, s10;
	s8 =	sshrl.u32 s8, $0x3  }
0xd: {  	s4 =	sadd.s32 s9, s4;
	s13 =	smax.u32 s13, $0x1;
	s12 =	sadd.s32 s5, s8  }
0xe: {  	s4 =	sadd.s32 $0x3D1800, s4;
	s5 =	sadd.s32 s5, s7;
	s6 =	sadd.s32 $0x1A00, s12  }
0xf: {  	s7 =	sadd.s32 $0x3400, s12;
	s8 =	sadd.s32 $0x4E00, s12;
	s9 =	sadd.s32 $0x6800, s12  }
0x10: {  	v0 =	vimm.s32 $0x0;
	s10 =	sadd.s32 $0x8200, s12;
	s11 =	sadd.s32 $0x9C00, s12;
	s12 =	sadd.s32 $0xB600, s12  }
.LBB2_1:
0x11: {  	[tilespmem:s2], [sflag:$0x5] =	stream.linear.gather [hbm4b:s4+s2], $0x3400, $0x38;
	[tilespmem:$0x1E100] =	vst v63  }
0x12: {  	_ =	swait.ge [sflag:s14], $0x3400  }
0x13: {  	[sflag:s14] =	ssyncset.done $0x0  }
0x14: {  	s25 =	simm.s32 $0x0;
	[sflag:s14] =	ssyncadd.s32 $0xFFFFCC00  }
0x15: {  	v1 =	vld [tilespmem:s25+$0x0];
	_ =	sdelay $0x4  }
0x16: {  	vm0 =	vgt.s32 v1, $0x3D08F;
	vm1 =	vgt.s32 v1, $0x7A11F  }
0x17: {  	vm2 =	vgt.s32 v1, $0xB71AF;
	v2 =	vsel vm0, $0x1, v0;
	v3 =	vsel vm1, $0x1, v0  }
0x18: {  	s26 =	simm.s32 $0x10;
	v2 =	vadd.s32 v3, v2;
	v3 =	vsel vm2, $0x1, v0  }
0x19: {  	v2 =	vadd.s32 v3, v2;
	v3 =	vld [tilespmem:s26+$0x0];
	_ =	sdelay $0x3  }
0x1a: {  	s28 =	simm.s32 $0x80;
	v4 =	vmul.u32 $0x3FFC2F70, v2  }
.LBB2_2:
0x1b: {  	s29 =	sshra.s32 s28, $0x2;
	vm0 =	vgt.s32 v3, $0xB71AF;
	p0 =	sne.s32 s28, $0x19C0  }
.Ltmp0:
0x1c: {  	s28 =	sadd.s32 $0x40, s28;
	vm1 =	vgt.s32 v3, $0x3D08F;
	vm2 =	vgt.s32 v3, $0x7A11F;
	v4 =	vadd.s32 v1, v4;
	v1 =	vmovc v3;
	v3 =	vld [tilespmem:s29+$0x0];
	(pc) =	sbr.rel @p0 .LBB2_2-.Ltmp0, $4  }
0x1d: {  	v5 =	vsel vm1, $0x1, v0;
	v6 =	vsel vm2, $0x1, v0;
	v4 =	vshll.u32 v4, $0x2  }
0x1e: {  	v5 =	vadd.s32 v6, v5;
	v6 =	vsel vm0, $0x1, v0;
	v4 =	vadd.s32 v2, v4  }
0x1f: {  	v2 =	vadd.s32 v6, v5;
	[tilespmem:s25+$0x1D400] =	vst v4;
	s25 =	smov.u32 s26;
	s26 =	smov.u32 s29  }
0x20: {  	v4 =	vmul.u32 $0x3FFC2F70, v2  }
0x21: {  	vm0 =	vgt.s32 v3, $0x3D08F;
	vm1 =	vgt.s32 v3, $0x7A11F  }
0x22: {  	vm2 =	vgt.s32 v3, $0xB71AF;
	v5 =	vsel vm0, $0x1, v0;
	v6 =	vsel vm1, $0x1, v0  }
0x23: {  	v5 =	vadd.s32 v6, v5;
	v6 =	vsel vm2, $0x1, v0  }
0x24: {  	v5 =	vadd.s32 v6, v5  }
0x25: {  	v6 =	vmul.u32 $0x3FFC2F70, v5  }
0x26: {  	v1 =	vadd.s32 v1, v4  }
0x27: {  	v1 =	vshll.u32 v1, $0x2;
	v3 =	vadd.s32 v3, v6  }
0x28: {  	v1 =	vadd.s32 v2, v1;
	v2 =	vshll.u32 v3, $0x2  }
0x29: {  	[tilespmem:s25+$0x1D400] =	vst v1;
	v1 =	vadd.s32 v5, v2  }
0x2a: {  	s25 =	simm.s32 $0x0;
	[tilespmem:s26+$0x1D400] =	vst v1  }
0x2b: {  	[tilespmem:s17], [sflag:$0x1] =	stream.indirect.gather [hbm4b:s3+s15], $0x20, s16, s15, $0xb8;
	[tilespmem:$0x1E100] =	vst v63  }
0x2c: {  	v1 =	vld [tilespmem:s25+$0x680];
	_ =	sdelay $0x4  }
0x2d: {  	vm13 =	vgt.s32 v1, $0x3D08F;
	vm14 =	vgt.s32 v1, $0x7A11F  }
0x2e: {  	vm15 =	vgt.s32 v1, $0xB71AF;
	v2 =	vsel vm13, $0x1, v0;
	v3 =	vsel vm14, $0x1, v0  }
0x2f: {  	s26 =	simm.s32 $0x10;
	v2 =	vadd.s32 v3, v2;
	v3 =	vsel vm15, $0x1, v0  }
0x30: {  	v2 =	vadd.s32 v3, v2;
	v3 =	vld [tilespmem:s26+$0x680];
	_ =	sdelay $0x3  }
0x31: {  	s28 =	simm.s32 $0x80;
	v4 =	vmul.u32 $0x3FFC2F70, v2  }
.LBB2_4:
0x32: {  	s29 =	sshra.s32 s28, $0x2;
	vm0 =	vgt.s32 v3, $0xB71AF;
	p0 =	sne.s32 s28, $0x19C0  }
.Ltmp1:
0x33: {  	s28 =	sadd.s32 $0x40, s28;
	vm1 =	vgt.s32 v3, $0x3D08F;
	vm2 =	vgt.s32 v3, $0x7A11F;
	v4 =	vadd.s32 v1, v4;
	v1 =	vmovc v3;
	v3 =	vld [tilespmem:s29+$0x680];
	(pc) =	sbr.rel @p0 .LBB2_4-.Ltmp1, $4  }
0x34: {  	v5 =	vsel vm1, $0x1, v0;
	v6 =	vsel vm2, $0x1, v0;
	v4 =	vshll.u32 v4, $0x2  }
0x35: {  	v5 =	vadd.s32 v6, v5;
	v6 =	vsel vm0, $0x1, v0;
	v4 =	vadd.s32 v2, v4  }
0x36: {  	v2 =	vadd.s32 v6, v5;
	[tilespmem:s25+$0x1DA80] =	vst v4;
	s25 =	smov.u32 s26;
	s26 =	smov.u32 s29  }
0x37: {  	v4 =	vmul.u32 $0x3FFC2F70, v2  }
0x38: {  	vm0 =	vgt.s32 v3, $0x3D08F;
	vm1 =	vgt.s32 v3, $0x7A11F  }
0x39: {  	vm2 =	vgt.s32 v3, $0xB71AF;
	v5 =	vsel vm0, $0x1, v0;
	v6 =	vsel vm1, $0x1, v0  }
0x3a: {  	v5 =	vadd.s32 v6, v5;
	v6 =	vsel vm2, $0x1, v0  }
0x3b: {  	v5 =	vadd.s32 v6, v5  }
0x3c: {  	v6 =	vmul.u32 $0x3FFC2F70, v5  }
0x3d: {  	v1 =	vadd.s32 v1, v4  }
0x3e: {  	v1 =	vshll.u32 v1, $0x2;
	v3 =	vadd.s32 v3, v6  }
0x3f: {  	v1 =	vadd.s32 v2, v1;
	v2 =	vshll.u32 v3, $0x2  }
0x40: {  	[tilespmem:s25+$0x1DA80] =	vst v1;
	v1 =	vadd.s32 v5, v2  }
0x41: {  	[tilespmem:s26+$0x1DA80] =	vst v1  }
0x42: {  	[tilespmem:s19], [sflag:$0x2] =	stream.indirect.gather [hbm4b:s3+s15], $0x20, s18, s15, $0xb8;
	[tilespmem:$0x1E100] =	vst v63  }
0x43: {  	_ =	swait.ge [sflag:s20], $0xD000  }
0x44: {  	[sflag:s20] =	ssyncset.done $0x0  }
0x45: {  	s31 =	simm.s32 $0x0;
	[sflag:s20] =	ssyncadd.s32 $0xFFFF3000  }
0x46: {  	[hbm4b:s5+s31] =	stream.linear.scatter [tilespmem:s17], [sflag:$0x3], $0xD000, $0x38;
	[tilespmem:$0x1E100] =	vst v63  }
0x47: {  	_ =	swait.ge [sflag:s21], $0xD000  }
0x48: {  	[sflag:s21] =	ssyncset.done $0x0  }
0x49: {  	s25 =	simm.s32 $0x0;
	[sflag:s21] =	ssyncadd.s32 $0xFFFF3000  }
0x4a: {  	v1 =	vld [tilespmem:s25+$0xD00];
	_ =	sdelay $0x4  }
0x4b: {  	vm13 =	vgt.s32 v1, $0x3D08F;
	vm14 =	vgt.s32 v1, $0x7A11F  }
0x4c: {  	vm15 =	vgt.s32 v1, $0xB71AF;
	v2 =	vsel vm13, $0x1, v0;
	v3 =	vsel vm14, $0x1, v0  }
0x4d: {  	s26 =	simm.s32 $0x10;
	v2 =	vadd.s32 v3, v2;
	v3 =	vsel vm15, $0x1, v0  }
0x4e: {  	v2 =	vadd.s32 v3, v2;
	v3 =	vld [tilespmem:s26+$0xD00];
	_ =	sdelay $0x3  }
0x4f: {  	s28 =	simm.s32 $0x80;
	v4 =	vmul.u32 $0x3FFC2F70, v2  }
.LBB2_6:
0x50: {  	s29 =	sshra.s32 s28, $0x2;
	vm0 =	vgt.s32 v3, $0xB71AF;
	p0 =	sne.s32 s28, $0x19C0  }
.Ltmp2:
0x51: {  	s28 =	sadd.s32 $0x40, s28;
	vm1 =	vgt.s32 v3, $0x3D08F;
	vm2 =	vgt.s32 v3, $0x7A11F;
	v4 =	vadd.s32 v1, v4;
	v1 =	vmovc v3;
	v3 =	vld [tilespmem:s29+$0xD00];
	(pc) =	sbr.rel @p0 .LBB2_6-.Ltmp2, $4  }
0x52: {  	v5 =	vsel vm1, $0x1, v0;
	v6 =	vsel vm2, $0x1, v0;
	v4 =	vshll.u32 v4, $0x2  }
0x53: {  	v5 =	vadd.s32 v6, v5;
	v6 =	vsel vm0, $0x1, v0;
	v4 =	vadd.s32 v2, v4  }
0x54: {  	v2 =	vadd.s32 v6, v5;
	[tilespmem:s25+$0x1D400] =	vst v4;
	s25 =	smov.u32 s26;
	s26 =	smov.u32 s29  }
0x55: {  	v4 =	vmul.u32 $0x3FFC2F70, v2  }
0x56: {  	vm0 =	vgt.s32 v3, $0x3D08F;
	vm1 =	vgt.s32 v3, $0x7A11F  }
0x57: {  	vm2 =	vgt.s32 v3, $0xB71AF;
	v5 =	vsel vm0, $0x1, v0;
	v6 =	vsel vm1, $0x1, v0  }
0x58: {  	v5 =	vadd.s32 v6, v5;
	v6 =	vsel vm2, $0x1, v0  }
0x59: {  	v5 =	vadd.s32 v6, v5  }
0x5a: {  	v6 =	vmul.u32 $0x3FFC2F70, v5  }
0x5b: {  	v1 =	vadd.s32 v1, v4  }
0x5c: {  	v1 =	vshll.u32 v1, $0x2;
	v3 =	vadd.s32 v3, v6  }
0x5d: {  	v1 =	vadd.s32 v2, v1;
	v2 =	vshll.u32 v3, $0x2  }
0x5e: {  	[tilespmem:s25+$0x1D400] =	vst v1;
	v1 =	vadd.s32 v5, v2  }
0x5f: {  	[tilespmem:s26+$0x1D400] =	vst v1  }
0x60: {  	[tilespmem:s17], [sflag:$0x1] =	stream.indirect.gather [hbm4b:s3+s15], $0x20, s16, s15, $0xb8;
	[tilespmem:$0x1E100] =	vst v63  }
0x61: {  	_ =	swait.ge [sflag:s22], $0xD000  }
0x62: {  	[sflag:s22] =	ssyncset.done $0x0  }
0x63: {  	s31 =	simm.s32 $0x0;
	[sflag:s22] =	ssyncadd.s32 $0xFFFF3000  }
0x64: {  	[hbm4b:s6+s31] =	stream.linear.scatter [tilespmem:s19], [sflag:$0x4], $0xD000, $0x38;
	[tilespmem:$0x1E100] =	vst v63  }
0x65: {  	_ =	swait.ge [sflag:s23], $0xD000  }
0x66: {  	[sflag:s23] =	ssyncset.done $0x0  }
0x67: {  	s25 =	simm.s32 $0x0;
	[sflag:s23] =	ssyncadd.s32 $0xFFFF3000  }
0x68: {  	v1 =	vld [tilespmem:s25+$0x1380];
	_ =	sdelay $0x4  }
0x69: {  	vm13 =	vgt.s32 v1, $0x3D08F;
	vm14 =	vgt.s32 v1, $0x7A11F  }
0x6a: {  	vm15 =	vgt.s32 v1, $0xB71AF;
	v2 =	vsel vm13, $0x1, v0;
	v3 =	vsel vm14, $0x1, v0  }
0x6b: {  	s26 =	simm.s32 $0x10;
	v2 =	vadd.s32 v3, v2;
	v3 =	vsel vm15, $0x1, v0  }
0x6c: {  	v2 =	vadd.s32 v3, v2;
	v3 =	vld [tilespmem:s26+$0x1380];
	_ =	sdelay $0x3  }
0x6d: {  	s28 =	simm.s32 $0x80;
	v4 =	vmul.u32 $0x3FFC2F70, v2  }
.LBB2_8:
0x6e: {  	s29 =	sshra.s32 s28, $0x2;
	vm0 =	vgt.s32 v3, $0xB71AF;
	p0 =	sne.s32 s28, $0x19C0  }
.Ltmp3:
0x6f: {  	s28 =	sadd.s32 $0x40, s28;
	vm1 =	vgt.s32 v3, $0x3D08F;
	vm2 =	vgt.s32 v3, $0x7A11F;
	v4 =	vadd.s32 v1, v4;
	v1 =	vmovc v3;
	v3 =	vld [tilespmem:s29+$0x1380];
	(pc) =	sbr.rel @p0 .LBB2_8-.Ltmp3, $4  }
0x70: {  	v5 =	vsel vm1, $0x1, v0;
	v6 =	vsel vm2, $0x1, v0;
	v4 =	vshll.u32 v4, $0x2  }
0x71: {  	v5 =	vadd.s32 v6, v5;
	v6 =	vsel vm0, $0x1, v0;
	v4 =	vadd.s32 v2, v4  }
0x72: {  	v2 =	vadd.s32 v6, v5;
	[tilespmem:s25+$0x1DA80] =	vst v4;
	s25 =	smov.u32 s26;
	s26 =	smov.u32 s29  }
0x73: {  	v4 =	vmul.u32 $0x3FFC2F70, v2  }
0x74: {  	vm0 =	vgt.s32 v3, $0x3D08F;
	vm1 =	vgt.s32 v3, $0x7A11F  }
0x75: {  	vm2 =	vgt.s32 v3, $0xB71AF;
	v5 =	vsel vm0, $0x1, v0;
	v6 =	vsel vm1, $0x1, v0  }
0x76: {  	v5 =	vadd.s32 v6, v5;
	v6 =	vsel vm2, $0x1, v0  }
0x77: {  	v5 =	vadd.s32 v6, v5  }
0x78: {  	v6 =	vmul.u32 $0x3FFC2F70, v5  }
0x79: {  	v1 =	vadd.s32 v1, v4  }
0x7a: {  	v1 =	vshll.u32 v1, $0x2;
	v3 =	vadd.s32 v3, v6  }
0x7b: {  	v1 =	vadd.s32 v2, v1;
	v2 =	vshll.u32 v3, $0x2  }
0x7c: {  	[tilespmem:s25+$0x1DA80] =	vst v1;
	v1 =	vadd.s32 v5, v2  }
0x7d: {  	[tilespmem:s26+$0x1DA80] =	vst v1  }
0x7e: {  	[tilespmem:s19], [sflag:$0x2] =	stream.indirect.gather [hbm4b:s3+s15], $0x20, s18, s15, $0xb8;
	[tilespmem:$0x1E100] =	vst v63  }
0x7f: {  	_ =	swait.ge [sflag:s20], $0xD000  }
0x80: {  	[sflag:s20] =	ssyncset.done $0x0  }
0x81: {  	s31 =	simm.s32 $0x0;
	[sflag:s20] =	ssyncadd.s32 $0xFFFF3000  }
0x82: {  	[hbm4b:s7+s31] =	stream.linear.scatter [tilespmem:s17], [sflag:$0x3], $0xD000, $0x38;
	[tilespmem:$0x1E100] =	vst v63  }
0x83: {  	_ =	swait.ge [sflag:s21], $0xD000  }
0x84: {  	[sflag:s21] =	ssyncset.done $0x0  }
0x85: {  	s25 =	simm.s32 $0x0;
	[sflag:s21] =	ssyncadd.s32 $0xFFFF3000  }
0x86: {  	v1 =	vld [tilespmem:s25+$0x1A00];
	_ =	sdelay $0x4  }
0x87: {  	vm13 =	vgt.s32 v1, $0x3D08F;
	vm14 =	vgt.s32 v1, $0x7A11F  }
0x88: {  	vm15 =	vgt.s32 v1, $0xB71AF;
	v2 =	vsel vm13, $0x1, v0;
	v3 =	vsel vm14, $0x1, v0  }
0x89: {  	s26 =	simm.s32 $0x10;
	v2 =	vadd.s32 v3, v2;
	v3 =	vsel vm15, $0x1, v0  }
0x8a: {  	v2 =	vadd.s32 v3, v2;
	v3 =	vld [tilespmem:s26+$0x1A00];
	_ =	sdelay $0x3  }
0x8b: {  	s28 =	simm.s32 $0x80;
	v4 =	vmul.u32 $0x3FFC2F70, v2  }
.LBB2_10:
0x8c: {  	s29 =	sshra.s32 s28, $0x2;
	vm0 =	vgt.s32 v3, $0xB71AF;
	p0 =	sne.s32 s28, $0x19C0  }
.Ltmp4:
0x8d: {  	s28 =	sadd.s32 $0x40, s28;
	vm1 =	vgt.s32 v3, $0x3D08F;
	vm2 =	vgt.s32 v3, $0x7A11F;
	v4 =	vadd.s32 v1, v4;
	v1 =	vmovc v3;
	v3 =	vld [tilespmem:s29+$0x1A00];
	(pc) =	sbr.rel @p0 .LBB2_10-.Ltmp4, $4  }
0x8e: {  	v5 =	vsel vm1, $0x1, v0;
	v6 =	vsel vm2, $0x1, v0;
	v4 =	vshll.u32 v4, $0x2  }
0x8f: {  	v5 =	vadd.s32 v6, v5;
	v6 =	vsel vm0, $0x1, v0;
	v4 =	vadd.s32 v2, v4  }
0x90: {  	v2 =	vadd.s32 v6, v5;
	[tilespmem:s25+$0x1D400] =	vst v4;
	s25 =	smov.u32 s26;
	s26 =	smov.u32 s29  }
0x91: {  	v4 =	vmul.u32 $0x3FFC2F70, v2  }
0x92: {  	vm0 =	vgt.s32 v3, $0x3D08F;
	vm1 =	vgt.s32 v3, $0x7A11F  }
0x93: {  	vm2 =	vgt.s32 v3, $0xB71AF;
	v5 =	vsel vm0, $0x1, v0;
	v6 =	vsel vm1, $0x1, v0  }
0x94: {  	v5 =	vadd.s32 v6, v5;
	v6 =	vsel vm2, $0x1, v0  }
0x95: {  	v5 =	vadd.s32 v6, v5  }
0x96: {  	v6 =	vmul.u32 $0x3FFC2F70, v5  }
0x97: {  	v1 =	vadd.s32 v1, v4  }
0x98: {  	v1 =	vshll.u32 v1, $0x2;
	v3 =	vadd.s32 v3, v6  }
0x99: {  	v1 =	vadd.s32 v2, v1;
	v2 =	vshll.u32 v3, $0x2  }
0x9a: {  	[tilespmem:s25+$0x1D400] =	vst v1;
	v1 =	vadd.s32 v5, v2  }
0x9b: {  	[tilespmem:s26+$0x1D400] =	vst v1  }
0x9c: {  	[tilespmem:s17], [sflag:$0x1] =	stream.indirect.gather [hbm4b:s3+s15], $0x20, s16, s15, $0xb8;
	[tilespmem:$0x1E100] =	vst v63  }
0x9d: {  	_ =	swait.ge [sflag:s22], $0xD000  }
0x9e: {  	[sflag:s22] =	ssyncset.done $0x0  }
0x9f: {  	s31 =	simm.s32 $0x0;
	[sflag:s22] =	ssyncadd.s32 $0xFFFF3000  }
0xa0: {  	[hbm4b:s8+s31] =	stream.linear.scatter [tilespmem:s19], [sflag:$0x4], $0xD000, $0x38;
	[tilespmem:$0x1E100] =	vst v63  }
0xa1: {  	_ =	swait.ge [sflag:s23], $0xD000  }
0xa2: {  	[sflag:s23] =	ssyncset.done $0x0  }
0xa3: {  	s25 =	simm.s32 $0x0;
	[sflag:s23] =	ssyncadd.s32 $0xFFFF3000  }
0xa4: {  	v1 =	vld [tilespmem:s25+$0x2080];
	_ =	sdelay $0x4  }
0xa5: {  	vm13 =	vgt.s32 v1, $0x3D08F;
	vm14 =	vgt.s32 v1, $0x7A11F  }
0xa6: {  	vm15 =	vgt.s32 v1, $0xB71AF;
	v2 =	vsel vm13, $0x1, v0;
	v3 =	vsel vm14, $0x1, v0  }
0xa7: {  	s26 =	simm.s32 $0x10;
	v2 =	vadd.s32 v3, v2;
	v3 =	vsel vm15, $0x1, v0  }
0xa8: {  	v2 =	vadd.s32 v3, v2;
	v3 =	vld [tilespmem:s26+$0x2080];
	_ =	sdelay $0x3  }
0xa9: {  	s28 =	simm.s32 $0x80;
	v4 =	vmul.u32 $0x3FFC2F70, v2  }
.LBB2_12:
0xaa: {  	s29 =	sshra.s32 s28, $0x2;
	vm0 =	vgt.s32 v3, $0xB71AF;
	p0 =	sne.s32 s28, $0x19C0  }
.Ltmp5:
0xab: {  	s28 =	sadd.s32 $0x40, s28;
	vm1 =	vgt.s32 v3, $0x3D08F;
	vm2 =	vgt.s32 v3, $0x7A11F;
	v4 =	vadd.s32 v1, v4;
	v1 =	vmovc v3;
	v3 =	vld [tilespmem:s29+$0x2080];
	(pc) =	sbr.rel @p0 .LBB2_12-.Ltmp5, $4  }
0xac: {  	v5 =	vsel vm1, $0x1, v0;
	v6 =	vsel vm2, $0x1, v0;
	v4 =	vshll.u32 v4, $0x2  }
0xad: {  	v5 =	vadd.s32 v6, v5;
	v6 =	vsel vm0, $0x1, v0;
	v4 =	vadd.s32 v2, v4  }
0xae: {  	v2 =	vadd.s32 v6, v5;
	[tilespmem:s25+$0x1DA80] =	vst v4;
	s25 =	smov.u32 s26;
	s26 =	smov.u32 s29  }
0xaf: {  	v4 =	vmul.u32 $0x3FFC2F70, v2  }
0xb0: {  	vm0 =	vgt.s32 v3, $0x3D08F;
	vm1 =	vgt.s32 v3, $0x7A11F  }
0xb1: {  	vm2 =	vgt.s32 v3, $0xB71AF;
	v5 =	vsel vm0, $0x1, v0;
	v6 =	vsel vm1, $0x1, v0  }
0xb2: {  	v5 =	vadd.s32 v6, v5;
	v6 =	vsel vm2, $0x1, v0  }
0xb3: {  	v5 =	vadd.s32 v6, v5  }
0xb4: {  	v6 =	vmul.u32 $0x3FFC2F70, v5  }
0xb5: {  	v1 =	vadd.s32 v1, v4  }
0xb6: {  	v1 =	vshll.u32 v1, $0x2;
	v3 =	vadd.s32 v3, v6  }
0xb7: {  	v1 =	vadd.s32 v2, v1;
	v2 =	vshll.u32 v3, $0x2  }
0xb8: {  	[tilespmem:s25+$0x1DA80] =	vst v1;
	v1 =	vadd.s32 v5, v2  }
0xb9: {  	[tilespmem:s26+$0x1DA80] =	vst v1  }
0xba: {  	[tilespmem:s19], [sflag:$0x2] =	stream.indirect.gather [hbm4b:s3+s15], $0x20, s18, s15, $0xb8;
	[tilespmem:$0x1E100] =	vst v63  }
0xbb: {  	_ =	swait.ge [sflag:s20], $0xD000  }
0xbc: {  	[sflag:s20] =	ssyncset.done $0x0  }
0xbd: {  	s31 =	simm.s32 $0x0;
	[sflag:s20] =	ssyncadd.s32 $0xFFFF3000  }
0xbe: {  	[hbm4b:s9+s31] =	stream.linear.scatter [tilespmem:s17], [sflag:$0x3], $0xD000, $0x38;
	[tilespmem:$0x1E100] =	vst v63  }
0xbf: {  	_ =	swait.ge [sflag:s21], $0xD000  }
0xc0: {  	[sflag:s21] =	ssyncset.done $0x0  }
0xc1: {  	s25 =	simm.s32 $0x0;
	[sflag:s21] =	ssyncadd.s32 $0xFFFF3000  }
0xc2: {  	v1 =	vld [tilespmem:s25+$0x2700];
	_ =	sdelay $0x4  }
0xc3: {  	vm13 =	vgt.s32 v1, $0x3D08F;
	vm14 =	vgt.s32 v1, $0x7A11F  }
0xc4: {  	vm15 =	vgt.s32 v1, $0xB71AF;
	v2 =	vsel vm13, $0x1, v0;
	v3 =	vsel vm14, $0x1, v0  }
0xc5: {  	s26 =	simm.s32 $0x10;
	v2 =	vadd.s32 v3, v2;
	v3 =	vsel vm15, $0x1, v0  }
0xc6: {  	v2 =	vadd.s32 v3, v2;
	v3 =	vld [tilespmem:s26+$0x2700];
	_ =	sdelay $0x3  }
0xc7: {  	s28 =	simm.s32 $0x80;
	v4 =	vmul.u32 $0x3FFC2F70, v2  }
.LBB2_14:
0xc8: {  	s29 =	sshra.s32 s28, $0x2;
	vm0 =	vgt.s32 v3, $0xB71AF;
	p0 =	sne.s32 s28, $0x19C0  }
.Ltmp6:
0xc9: {  	s28 =	sadd.s32 $0x40, s28;
	vm1 =	vgt.s32 v3, $0x3D08F;
	vm2 =	vgt.s32 v3, $0x7A11F;
	v4 =	vadd.s32 v1, v4;
	v1 =	vmovc v3;
	v3 =	vld [tilespmem:s29+$0x2700];
	(pc) =	sbr.rel @p0 .LBB2_14-.Ltmp6, $4  }
0xca: {  	v5 =	vsel vm1, $0x1, v0;
	v6 =	vsel vm2, $0x1, v0;
	v4 =	vshll.u32 v4, $0x2  }
0xcb: {  	v5 =	vadd.s32 v6, v5;
	v6 =	vsel vm0, $0x1, v0;
	v4 =	vadd.s32 v2, v4  }
0xcc: {  	v2 =	vadd.s32 v6, v5;
	[tilespmem:s25+$0x1D400] =	vst v4;
	s25 =	smov.u32 s26;
	s26 =	smov.u32 s29  }
0xcd: {  	v4 =	vmul.u32 $0x3FFC2F70, v2  }
0xce: {  	vm0 =	vgt.s32 v3, $0x3D08F;
	vm1 =	vgt.s32 v3, $0x7A11F  }
0xcf: {  	vm2 =	vgt.s32 v3, $0xB71AF;
	v5 =	vsel vm0, $0x1, v0;
	v6 =	vsel vm1, $0x1, v0  }
0xd0: {  	v5 =	vadd.s32 v6, v5;
	v6 =	vsel vm2, $0x1, v0  }
0xd1: {  	v5 =	vadd.s32 v6, v5  }
0xd2: {  	v6 =	vmul.u32 $0x3FFC2F70, v5  }
0xd3: {  	v1 =	vadd.s32 v1, v4  }
0xd4: {  	v1 =	vshll.u32 v1, $0x2;
	v3 =	vadd.s32 v3, v6  }
0xd5: {  	v1 =	vadd.s32 v2, v1;
	v2 =	vshll.u32 v3, $0x2  }
0xd6: {  	[tilespmem:s25+$0x1D400] =	vst v1;
	v1 =	vadd.s32 v5, v2  }
0xd7: {  	[tilespmem:s26+$0x1D400] =	vst v1  }
0xd8: {  	[tilespmem:s17], [sflag:$0x1] =	stream.indirect.gather [hbm4b:s3+s15], $0x20, s16, s15, $0xb8;
	[tilespmem:$0x1E100] =	vst v63  }
0xd9: {  	_ =	swait.ge [sflag:s22], $0xD000  }
0xda: {  	[sflag:s22] =	ssyncset.done $0x0  }
0xdb: {  	s31 =	simm.s32 $0x0;
	[sflag:s22] =	ssyncadd.s32 $0xFFFF3000  }
0xdc: {  	[hbm4b:s10+s31] =	stream.linear.scatter [tilespmem:s19], [sflag:$0x4], $0xD000, $0x38;
	[tilespmem:$0x1E100] =	vst v63  }
0xdd: {  	_ =	swait.ge [sflag:s23], $0xD000  }
0xde: {  	[sflag:s23] =	ssyncset.done $0x0  }
0xdf: {  	s25 =	simm.s32 $0x0;
	[sflag:s23] =	ssyncadd.s32 $0xFFFF3000  }
0xe0: {  	v1 =	vld [tilespmem:s25+$0x2D80];
	_ =	sdelay $0x4  }
0xe1: {  	vm13 =	vgt.s32 v1, $0x3D08F;
	vm14 =	vgt.s32 v1, $0x7A11F  }
0xe2: {  	vm15 =	vgt.s32 v1, $0xB71AF;
	v2 =	vsel vm13, $0x1, v0;
	v3 =	vsel vm14, $0x1, v0  }
0xe3: {  	s26 =	simm.s32 $0x10;
	v2 =	vadd.s32 v3, v2;
	v3 =	vsel vm15, $0x1, v0  }
0xe4: {  	v2 =	vadd.s32 v3, v2;
	v3 =	vld [tilespmem:s26+$0x2D80];
	_ =	sdelay $0x3  }
0xe5: {  	s28 =	simm.s32 $0x80;
	v4 =	vmul.u32 $0x3FFC2F70, v2  }
.LBB2_16:
0xe6: {  	s29 =	sshra.s32 s28, $0x2;
	vm0 =	vgt.s32 v3, $0xB71AF;
	p0 =	sne.s32 s28, $0x19C0  }
.Ltmp7:
0xe7: {  	s28 =	sadd.s32 $0x40, s28;
	vm1 =	vgt.s32 v3, $0x3D08F;
	vm2 =	vgt.s32 v3, $0x7A11F;
	v4 =	vadd.s32 v1, v4;
	v1 =	vmovc v3;
	v3 =	vld [tilespmem:s29+$0x2D80];
	(pc) =	sbr.rel @p0 .LBB2_16-.Ltmp7, $4  }
0xe8: {  	v5 =	vsel vm1, $0x1, v0;
	v6 =	vsel vm2, $0x1, v0;
	v4 =	vshll.u32 v4, $0x2  }
0xe9: {  	v5 =	vadd.s32 v6, v5;
	v6 =	vsel vm0, $0x1, v0;
	v4 =	vadd.s32 v2, v4  }
0xea: {  	v2 =	vadd.s32 v6, v5;
	[tilespmem:s25+$0x1DA80] =	vst v4;
	s25 =	smov.u32 s26;
	s26 =	smov.u32 s29  }
0xeb: {  	v4 =	vmul.u32 $0x3FFC2F70, v2  }
0xec: {  	vm0 =	vgt.s32 v3, $0x3D08F;
	vm1 =	vgt.s32 v3, $0x7A11F  }
0xed: {  	vm2 =	vgt.s32 v3, $0xB71AF;
	v5 =	vsel vm0, $0x1, v0;
	v6 =	vsel vm1, $0x1, v0  }
0xee: {  	v63 =	vsel vm2, $0x1, v0;
	v5 =	vadd.s32 v6, v5  }
0xef: {  	v5 =	vadd.s32 v63, v5  }
0xf0: {  	v6 =	vmul.u32 $0x3FFC2F70, v5  }
0xf1: {  	v1 =	vadd.s32 v1, v4  }
0xf2: {  	v1 =	vshll.u32 v1, $0x2;
	v3 =	vadd.s32 v3, v6  }
0xf3: {  	v1 =	vadd.s32 v2, v1;
	v2 =	vshll.u32 v3, $0x2  }
0xf4: {  	[tilespmem:s25+$0x1DA80] =	vst v1;
	v1 =	vadd.s32 v5, v2  }
0xf5: {  	[tilespmem:s26+$0x1DA80] =	vst v1  }
0xf6: {  	[tilespmem:s19], [sflag:$0x2] =	stream.indirect.gather [hbm4b:s3+s15], $0x20, s18, s15, $0xb8;
	[tilespmem:$0x1E100] =	vst v63  }
0xf7: {  	_ =	swait.ge [sflag:s20], $0xD000  }
0xf8: {  	[sflag:s20] =	ssyncset.done $0x0  }
0xf9: {  	[sflag:s20] =	ssyncadd.s32 $0xFFFF3000  }
0xfa: {  	[hbm4b:s11+s2] =	stream.linear.scatter [tilespmem:s17], [sflag:$0x3], $0xD000, $0x38;
	[tilespmem:$0x1E100] =	vst v63  }
0xfb: {  	_ =	swait.ge [sflag:s22], $0xD000  }
0xfc: {  	[sflag:s22] =	ssyncset.done $0x0  }
0xfd: {  	s24 =	sadd.s32 $0x1, s24;
	[sflag:s22] =	ssyncadd.s32 $0xFFFF3000  }
0xfe: {  	[hbm4b:s12+s2] =	stream.linear.scatter [tilespmem:s19], [sflag:$0x4], $0xD000, $0x38;
	[tilespmem:$0x1E100] =	vst v63  }
0xff: {  	p0 =	sne.s32 s24, s13;
	_ =	swait.ge [sflag:s21], $0xD000  }
.Ltmp8:
0x100: {  	[sflag:s21] =	ssyncset.done $0x0;
	(pc) =	sbr.rel @p0 .LBB2_1-.Ltmp8, $4  }
0x101: {  	[sflag:s21] =	ssyncadd.s32 $0xFFFF3000  }
0x102: {  	_ =	swait.ge [sflag:s23], $0xD000  }
0x103: {  	[sflag:s23] =	ssyncset.done $0x0  }
0x104: {  	[sflag:s23] =	ssyncadd.s32 $0xFFFF3000  }
0x105: {  	_ =	sfence.sel $0x180000  }
0x106: {  	[bflag:$0x0] =	sbarrier.arrive $0xFFFF  }
0x107: {  	p0 =	sne.s32 s1, $0x0;
	_ =	strace $0x9000004A  }
0x108: {  	s0 =	sadd.s32 @!p0 $0x100000, s0;
	[bflag:$0x2] =	sbarrier.arrive $0xFFFF  }
0x109: {  	[sflag:s0] =	ssyncadd.tile.s32 @!p0 $0x1;
	_ =	shalt  }
.Lfunc_end2:
_tile_overlayer_lowered:
.L_overlay_start_2:
0x10a: {  	(tag) =	ssettag $0x2  }
0x10b: {  	s0 =	rddreg [dreg:$0x0];
	s2 =	stileid.u32  }
0x10c: {  	s1 =	rddreg [dreg:$0x1];
	p0 =	sne.s32 s2, $0x0  }
0x10d: {  	s3 =	rddreg [dreg:$0x2];
	[bflag:$0x3] =	sbarrier.arrive $0xFFFF;
	s2 =	simm.s32 @!p0 $0x1C05  }
0x10e: {  	[timem:s3], [sflag:s2] =	dma.local @!p0 [hbm:s0], s1  }
0x10f: {  	s0 =	simm.s32 @!p0 $0x5  }
0x110: {  	_ =	swait.ge @!p0 [sflag:s0], s1  }
0x111: {  	s1 =	ssub.s32 @!p0 $0x0, s1;
	[sflag:s0] =	ssyncset.done @!p0 $0x0  }
0x112: {  	[sflag:s0] =	ssyncadd.s32 @!p0 s1  }
0x113: {  	[bflag:$0x3] =	sbarrier.arrive $0xFFFF  }
0x114: {  	_ =	shalt  }

// kernel: sparse-core-data-format-call.1.cloned.1.call-start
scs
called_computation.1_lowered:
.L_overlay_start_0:
0x0: {  	s2 =	sld [smem:$0x3FD9]  }
0x1: {  	s3 =	sld [smem:$0x3FFE];
	_ =	sdelay $0x1  }
0x2: {  	s1 =	srdreg.scid  }
0x3: {  	s0 =	sand.u32 $0x1, s1  }
0x4: {  	s18 =	sshll.u32 s0, $0xA;
	s2 =	sadd.s32 s3, s2  }
0x5: {  	s2 =	sadd.s32 s2, s18  }
0x6: {  	[smem:$0x3FC6] =	sst s2  }
0x7: {  	_ = 	snop  }
0x8: {  	s2 =	sld [smem:$0x3FC8];
	(tm) =	ssettm $0x1  }
0x9: {  	s19 =	sld [smem:$0x3FFB];
	_ =	sdelay $0x3  }
0xa: {  	_ =	strace s19  }
0xb: {  	s3 =	sld [smem:$0x3FFC];
	_ =	sdelay $0x3  }
0xc: {  	_ =	strace s3  }
0xd: {  	s3 =	sld [smem:$0x3FFD];
	_ =	sdelay $0x3  }
0xe: {  	_ =	strace s3  }
0xf: {  	_ =	strace $0x8FFFFFFF  }
0x10: {  	s20 =	sld [smem:$0x3FDB];
	_ =	sdelay $0x1  }
0x11: {  	s4 =	simm.s32 $_scs_section_size  }
0x12: {  	s5 =	simm.s32 $_size__tile_overlayer_lowered;
	s6 =	simm.s32 $_tile_overlayer_lowered  }
0x13: {  	s23 =	simm.s32 $0x1BFF;
	s22 =	sshll.u32 s6, $0x1;
	s3 =	sadd.s32 s4, s20  }
0x14: {  	s7 =	simm.s32 $0x0;
	s21 =	sshll.u32 s5, $0x1;
	s5 =	sadd.s32 s22, s3  }
0x15: {  	[timem:s7], [sflag:s23] =	dma.local [hbm:s5], s21  }
0x16: {  	_ =	swait.ge [sflag:s23], s21  }
0x17: {  	s4 =	ssub.s32 $0x0, s21;
	[sflag:s23] =	ssyncset.done $0x0  }
0x18: {  	[sflag:s23] =	ssyncadd.s32 s4;
	_ =	sdelay $0x1  }
0x19: {  	s24 =	simm.s32 $0x1B8B  }
0x1a: {  	_ =	swait.ge [sflag:s24], $0x1  }
0x1b: {  	[sflag:s24] =	ssyncset.done $0x0  }
0x1c: {  	s26 =	simm.s32 $0x1B8E;
	s25 =	sld [smem:$0x3FFE];
	[sflag:s24] =	ssyncadd.s32 $0xFFFFFFFF  }
0x1d: {  	s27 =	simm.s32 $execute0_lowered;
	[smem:$0x3FD2] =	sst s26  }
0x1e: {  	s5 =	sshll.u32 s27, $0x1;
	_ =	strace $0x80000046;
	[dreg:$0x1] =	wrdreg $0xFFFFFFFF  }
0x1f: {  	s28 =	simm.s32 $_size_execute0_lowered;
	s3 =	sadd.s32 s3, s5;
	[dreg:$0x0] =	wrdreg $0x0  }
0x20: {  	s5 =	sshll.u32 s28, $0x1;
	[dreg:$0x2] =	wrdreg s3  }
0x21: {  	[dreg:$0x3] =	wrdreg s5  }
0x22: {  	[dreg:$0x4] =	wrdreg $0xC0  }
0x23: {  	_ =	task [dreg:s7], $0x5FFFF  }
0x24: {  	[dreg:$0x1] =	wrdreg $0xFFFFFFFF  }
0x25: {  	[dreg:$0x0] =	wrdreg $0x60  }
0x26: {  	[dreg:$0x2] =	wrdreg s2  }
0x27: {  	[dreg:$0x3] =	wrdreg s25  }
0x28: {  	[dreg:$0x4] =	wrdreg $0x9  }
0x29: {  	_ =	task.clear_ibuf [dreg:s7], $0x5FFFF;
	_ =	strace $0x90000046  }
0x2a: {  	s29 =	simm.s32 $0x9;
	_ =	strace $0x80000048  }
0x2b: {  	_ =	swait.ge [sflag:s29], $0x1  }
0x2c: {  	[sflag:s29] =	ssyncadd.s32 $0xFFFFFFFF  }
0x2d: {  	_ =	strace $0x90000048  }
0x2e: {  	_ =	sfence  }
0x2f: {  	s30 =	sld [smem:$0x0];
	_ =	sdelay $0x2  }
0x30: {  	s31 =	sshll.u32 s1, $0xD;
	s1 =	sshrl.u32 s1, $0x2  }
0x31: {  	s3 =	sand.u32 $0x4000, s31;
	s1 =	sadd.s32 s1, s30  }
0x32: {  	s0 =	sor.u32 s3, s0;
	s1 =	sshll.u32 s1, $0x11  }
0x33: {  	s0 =	sor.u32 s1, s0  }
0x34: {  	s0 =	sadd.s32 $0x8F2B, s0  }
0x35: {  	[sflag:s0] =	ssyncadd.remote.s32 $0x1  }
0x36: {  	_ =	sfence.sel $0xFFFF  }
0x37: {  	[dreg:$0x0] =	wrdreg $0xFFFFFFFF;
	(pc) =	sbr.abs _section_cstart, $3  }
0x38: {  	[dreg:$0x1] =	wrdreg $0xFFFFFFFF  }
0x39: {  	_ =	task.clear_ibuf [dreg:s7], $0x2FFFF;
	_ =	strace $0x9FFFFFFF  }
0x3a: {  	(tm) =	ssettm $0x7FFFFFFF  }
0x3b: {  	_ =	shalt  }
tec
execute0_lowered:
.L_overlay_start_1:
0x0: {  	(tag) =	ssettag $0x1  }
0x1: {  	s2 =	rddreg [dreg:$0x0]  }
0x2: {  	s0 =	srdreg.scid;
	s4 =	rddreg [dreg:$0x1]  }
0x3: {  	s1 =	stileid.u32;
	s5 =	simm.s32 $0x1;
	s7 =	simm.s32 $0x2  }
0x4: {  	s14 =	simm.s32 $0x0;
	p0 =	por $0x0, $0x0;
	s0 =	sshll.u32 s0, $0x4  }
0x5: {  	s13 =	simm.s32 $0x0;
	s8 =	simm.s32 $0x0;
	s3 =	sand.u32 $0x10, s0  }
.Ltmp0:
0x6: {  	s9 =	simm.s32 $0x0;
	s3 =	sor.u32 s1, s3;
	(pc) =	sbr.rel .LBB1_1-.Ltmp0, $4  }
0x7: {  	s11 =	simm.s32 $0x0;
	s12 =	simm.s32 $0x0;
	s3 =	sshll.u32 s3, $0x7  }
0x8: {  	s0 =	rddreg [dreg:$0x2];
	_ =	strace $0x80000047;
	s6 =	ssub.s32 $0x3D080, s3  }
0x9: {  	s4 =	sadd.s32 $0xE00, s4;
	[sflag:s5] =	ssyncpa.u1 $0x0;
	s6 =	sshrl.u32 s6, $0xC  }
0xa: {  	[sflag:s7] =	ssyncpa.u1 $0x0;
	s10 =	smov.u32 s3;
	s7 =	sor.u32 $0x2, s6  }
.LBB1_5:
0xb: {  	p1 =	slt.u32 s12, $0x2  }
0xc: {  	p2 =	sgt.s32 @!p1 s14, $0x3D010  }
0xd: {  	s15 =	smov.u32 s14;
	s16 =	sshra.s32 @!p1 s14, $0x1F;
	p2 =	por !p2, p1  }
0xe: {  	s14 =	sand.u32 @!p1 s16, s14;
	s15 =	simm.s32 @p2 $0x3D010  }
0xf: {  	s14 =	ssub.s32 @!p1 s15, s14;
	s15 =	ssub.s32 @!p1 $0x0, s13  }
0x10: {  	s17 =	smov.u32 s11;
	s16 =	sadd.s32 @!p1 $0xFFFC2FF0, s14;
	s13 =	smin.u32 @!p1 s13, s15  }
0x11: {  	s14 =	ssub.s32 @!p1 $0x3D090, s14;
	p2 =	sgt.s32 @!p1 s16, $0x7F;
	p3 =	sgt.s32 @!p1 s13, $0x7F  }
0x12: {  	s13 =	ssub.s32 @!p1 $0x80, s13;
	p2 =	por !p2, p1;
	p3 =	por !p3, p1  }
0x13: {  	s15 =	sadd.s32 $0x1000, s10;
	s14 =	simm.s32 @!p2 $0x0;
	s13 =	simm.s32 @!p3 $0x0  }
0x14: {  	p2 =	sgt.s32 s15, $0x3D08F;
	s13 =	smul.u32 @!p1 s13, s14;
	s14 =	sadd.s32 $0x80, s11  }
0x15: {  	s17 =	smov.u32 @p2 s14  }
0x16: {  	s15 =	smov.u32 @p2 s3;
	p2 =	sgt.s32 s17, $0x7F  }
0x17: {  	s17 =	simm.s32 @p2 $0x0;
	p2 =	sne.s32 s12, s7  }
.Ltmp1:
0x18: {  	p0 =	por !p0, !p0;
	s16 =	simm.s32 @!p1 $0x2;
	(pc) =	sbr.rel @!p2 .LBB1_6-.Ltmp1, $4  }
0x19: {  	s14 =	smov.u32 s8;
	s8 =	smov.u32 s10;
	s13 =	sand.u32 @!p1 $0x3FFFFFFF, s13  }
0x1a: {  	s10 =	smov.u32 s15;
	_ =	swait.ge @!p1 [sflag:s16], s13;
	s18 =	ssub.s32 @!p1 $0x0, s13  }
0x1b: {  	s13 =	smov.u32 s9;
	s12 =	sadd.s32 $0x1, s12;
	[sflag:s16] =	ssyncset.done @!p1 $0x0  }
0x1c: {  	s9 =	smov.u32 s11;
	s11 =	smov.u32 s17;
	[sflag:s16] =	ssyncadd.s32 @!p1 s18  }
.LBB1_1:
0x1d: {  	p1 =	sgt.u32 s12, s6  }
0x1e: {  	s15 =	sshrl.u32 @!p1 s11, $0x3  }
0x1f: {  	s16 =	sshll.u32 @!p1 s10, $0x3;
	s15 =	smul.u32 @!p1 $0x1E8800, s15  }
0x20: {  	s17 =	sshll.u32 @!p1 s11, $0x7;
	s16 =	sand.u32 @!p1 $0xFFFFFC00, s16  }
0x21: {  	s15 =	sadd.s32 @!p1 s15, s16;
	s16 =	sand.u32 @!p1 $0x380, s17  }
0x22: {  	s15 =	sor.u32 @!p1 s16, s15  }
0x23: {  	s16 =	sshrl.u32 @!p1 s15, $0x8  }
0x24: {  	s16 =	smulhi.u32 @!p1 $0x10C50B5, s16;
	_ =	sdelay $0x1  }
0x25: {  	s16 =	sshrl.u32 @!p1 s16, $0x2  }
0x26: {  	s17 =	sand.u32 @!p1 $0x7F, s10;
	s18 =	smul.u32 @!p1 $0x3D100, s16  }
0x27: {  	s15 =	sor.u32 @!p1 s17, s15;
	s17 =	sxor.u32 @!p1 $0xFFFFFFFF, s12  }
0x28: {  	s17 =	sshll.u32 @!p1 s17, $0xE;
	s16 =	sand.u32 @!p1 $0x7F, s16;
	s15 =	ssub.s32 @!p1 s15, s18  }
0x29: {  	s16 =	smul.u32 @!p1 $0x7A20, s16;
	s18 =	sshrl.u32 @!p1 s15, $0x3;
	s15 =	sand.u32 @!p1 $0x7, s15  }
0x2a: {  	s17 =	sand.u32 @!p1 $0x4000, s17;
	s18 =	sadd.s32 @!p1 s2, s18;
	s15 =	sshll.u32 @!p1 s15, $0x12  }
0x2b: {  	s16 =	sadd.s32 @!p1 s16, s18;
	s15 =	sor.u32 @!p1 $0x400, s15;
	s18 =	simm.s32 @!p1 $0x1E8800  }
0x2c: {  	[tilespmem:s17], [sflag:$0x1] =	stream.strided.gather @!p1 [hbm4b:s16+s15], $0x4000, s18, s15, $0x38;
	[tilespmem:$0x10100] =	vst v63  }
0x2d: {  	p1 =	seq.s32 s12, $0x0  }
0x2e: {  	p2 =	sge.u32 @!p1 s12, s7  }
0x2f: {  	p1 =	por p1, p2  }
.Ltmp2:
0x30: {  	_ = 	snop;
	(pc) =	sbr.rel @p1 .LBB1_5-.Ltmp2, $1  }
0x31: {  	_ =	sdelay $0x3  }
0x32: {  	s15 =	simm.s32 $0x1  }
0x33: {  	_ =	swait.ge [sflag:s5], $0x4000;
	s15 =	simm.s32 @!p0 $0x0  }
0x34: {  	[sflag:s5] =	ssyncset.done $0x0;
	s16 =	sshll.u32 s15, $0xE  }
0x35: {  	[sflag:s5] =	ssyncadd.s32 $0xFFFFC000;
	s16 =	sor.u32 $0x40, s16  }
0x36: {  	s15 =	smul.u32 $0x10200, s15;
	v0 =	vld [tilespmem:s16+$0x30]  }
0x37: {  	v1 =	vld [tilespmem:s16+$0xFFFFFFD0]  }
0x38: {  	s15 =	sshrl.u32 s15, $0x2;
	v5 =	vld [tilespmem:s16+$0xFFFFFFE0]  }
0x39: {  	v6 =	vld [tilespmem:s16+$0xFFFFFFF0];
	s18 =	sor.u32 $0x8000, s15  }
0x3a: {  	s31 =	sand.u32 $0x1, s12;
	v4 =	vld [tilespmem:s16+$0x0];
	s17 =	sadd.s32 $0x0, s18  }
0x3b: {  	v3 =	vld [tilespmem:s16+$0x10];
	s15 =	smul.u32 $0x10200, s31;
	[tilespmem:s17+$0x3870 ss:$0x81] =	vst.msk $0xffff, v0  }
0x3c: {  	v2 =	vld [tilespmem:s16+$0x20];
	[tilespmem:s17+$0x810 ss:$0x81] =	vst.msk $0xffff, v1  }
0x3d: {  	s15 =	sshrl.u32 s15, $0x2;
	v0 =	vld [tilespmem:s16+$0xFFFFFFC0];
	[tilespmem:s17+$0x1020 ss:$0x81] =	vst.msk $0xffff, v5;
	s16 =	sadd.s32 $0x80, s16  }
0x3e: {  	s19 =	simm.s32 $0x4;
	s20 =	simm.s32 $0x8;
	s15 =	sor.u32 $0x8000, s15;
	[tilespmem:s17+$0x1830 ss:$0x81] =	vst.msk $0xffff, v6;
	v1 =	vld [tilespmem:s16+$0x30]  }
.LBB1_3:
0x3f: {  	p1 =	sne.s32 s20, $0x1FC;
	v5 =	vld [tilespmem:s16+$0xFFFFFFD0];
	[tilespmem:s17+$0x2040 ss:$0x81] =	vst.msk $0xffff, v4  }
0x40: {  	v6 =	vld [tilespmem:s16+$0xFFFFFFE0];
	[tilespmem:s17+$0x2850 ss:$0x81] =	vst.msk $0xffff, v3  }
0x41: {  	s21 =	sshra.s32 s19, $0x2;
	s19 =	smov.u32 s20;
	v7 =	vld [tilespmem:s16+$0xFFFFFFF0];
	[tilespmem:s17+$0x3060 ss:$0x81] =	vst.msk $0xffff, v2  }
.Ltmp3:
0x42: {  	v4 =	vld [tilespmem:s16+$0x0];
	[tilespmem:s17+$0x0 ss:$0x81] =	vst.msk $0xffff, v0;
	s17 =	sadd.s32 s21, s18;
	(pc) =	sbr.rel @p1 .LBB1_3-.Ltmp3, $4  }
0x43: {  	v3 =	vld [tilespmem:s16+$0x10];
	[tilespmem:s17+$0x3870 ss:$0x81] =	vst.msk $0xffff, v1  }
0x44: {  	[tilespmem:s17+$0x810 ss:$0x81] =	vst.msk $0xffff, v5;
	v2 =	vld [tilespmem:s16+$0x20]  }
0x45: {  	v0 =	vld [tilespmem:s16+$0xFFFFFFC0];
	[tilespmem:s17+$0x1020 ss:$0x81] =	vst.msk $0xffff, v6;
	s16 =	sadd.s32 $0x80, s16  }
0x46: {  	s20 =	sadd.s32 $0x4, s20;
	v1 =	vld [tilespmem:s16+$0x30];
	[tilespmem:s17+$0x1830 ss:$0x81] =	vst.msk $0xffff, v7  }
0x47: {  	s20 =	sshll.u32 s8, $0x7;
	s21 =	sshll.u32 s9, $0x3;
	s19 =	sshra.s32 s19, $0x2  }
0x48: {  	v5 =	vld [tilespmem:s16+$0xFFFFFFD0];
	[tilespmem:s17+$0x2040 ss:$0x81] =	vst.msk $0xffff, v4;
	p1 =	sgt.s32 s8, $0x3D010;
	s22 =	sand.u32 $0xFFFFFC00, s20;
	s21 =	sand.u32 $0xFFFFFC00, s21  }
0x49: {  	v58 =	vld [tilespmem:s16+$0xFFFFFFE0];
	s24 =	sshra.s32 s8, $0x1F;
	s20 =	sand.u32 $0x380, s20;
	[tilespmem:s17+$0x2850 ss:$0x81] =	vst.msk $0xffff, v3;
	s21 =	sadd.s32 s21, s22  }
0x4a: {  	v59 =	vld [tilespmem:s16+$0xFFFFFFF0];
	s26 =	ssub.s32 $0x0, s9;
	s18 =	sadd.s32 s19, s18;
	[tilespmem:s17+$0x3060 ss:$0x81] =	vst.msk $0xffff, v2;
	s23 =	sor.u32 s20, s21  }
0x4b: {  	v60 =	vld [tilespmem:s16+$0x0];
	s28 =	smin.u32 s9, s26;
	s20 =	smov.u32 s8;
	[tilespmem:s17+$0x0 ss:$0x81] =	vst.msk $0xffff, v0;
	s19 =	sshrl.u32 s23, $0x7  }
0x4c: {  	v61 =	vld [tilespmem:s16+$0x10];
	s21 =	sand.u32 s24, s8;
	s20 =	simm.s32 @!p1 $0x3D010;
	[tilespmem:s18+$0x3870 ss:$0x81] =	vst.msk $0xffff, v1;
	s25 =	smulhi.u32 $0x218DEF5, s19  }
0x4d: {  	v62 =	vld [tilespmem:s16+$0x20];
	s29 =	sshrl.u32 s9, $0x3;
	p2 =	sgt.s32 s28, $0x7F;
	s20 =	ssub.s32 s20, s21;
	[tilespmem:s18+$0x810 ss:$0x81] =	vst.msk $0xffff, v5  }
0x4e: {  	v63 =	vld [tilespmem:s16+$0xFFFFFFC0];
	[tilespmem:s18+$0x1020 ss:$0x81] =	vst.msk $0xffff, v58;
	s21 =	sadd.s32 $0xFFFC2FF0, s20;
	s20 =	ssub.s32 $0x3D090, s20;
	s17 =	sshrl.u32 s25, $0xB  }
0x4f: {  	[tilespmem:s18+$0x1830 ss:$0x81] =	vst.msk $0xffff, v59;
	p1 =	sgt.s32 s21, $0x7F;
	s27 =	smul.u32 $0x3D090, s17;
	s17 =	ssub.s32 $0x80, s28  }
.Ltmp4:
0x50: {  	[tilespmem:s18+$0x2040 ss:$0x81] =	vst.msk $0xffff, v60;
	s20 =	simm.s32 @p1 $0x0;
	s17 =	simm.s32 @p2 $0x0;
	(pc) =	sbr.rel .LBB1_5-.Ltmp4, $4  }
0x51: {  	s30 =	sand.u32 $0xF, s29;
	[tilespmem:s18+$0x2850 ss:$0x81] =	vst.msk $0xffff, v61;
	s16 =	ssub.s32 s19, s27;
	s17 =	smul.u32 s17, s20  }
0x52: {  	[tilespmem:s18+$0x3060 ss:$0x81] =	vst.msk $0xffff, v62;
	s19 =	sadd.s32 s4, s30;
	s16 =	sshll.u32 s16, $0x4  }
0x53: {  	s31 =	sand.u32 $0x7, s9;
	[tilespmem:s18+$0x0 ss:$0x81] =	vst.msk $0xffff, v63;
	s17 =	sand.u32 $0x3FFFFFFF, s17;
	s16 =	sadd.s32 s16, s19  }
0x54: {  	[hbm4b:s16+s31] =	stream.linear.scatter [tilespmem:s15], [sflag:$0x2], s17, $0x20;
	[tilespmem:$0x10100] =	vst v63  }
.LBB1_6:
0x55: {  	_ =	sfence.sel $0x180000  }
0x56: {  	s2 =	simm.s32 $0x1;
	[bflag:$0x0] =	sbarrier.arrive $0xFFFF  }
0x57: {  	s31 =	simm.s32 $0x2;
	[sflag:s2] =	ssyncpa.u1 $0x1  }
0x58: {  	[sflag:s31] =	ssyncpa.u1 $0x1  }
0x59: {  	p0 =	sne.s32 s1, $0x0;
	_ =	strace $0x90000047  }
0x5a: {  	s0 =	sadd.s32 @!p0 $0x100000, s0;
	[bflag:$0x2] =	sbarrier.arrive $0xFFFF  }
0x5b: {  	[sflag:s0] =	ssyncadd.tile.s32 @!p0 $0x1;
	_ =	shalt  }
.Lfunc_end1:
_tile_overlayer_lowered:
.L_overlay_start_2:
0x5c: {  	(tag) =	ssettag $0x2  }
0x5d: {  	s0 =	rddreg [dreg:$0x0];
	s2 =	stileid.u32  }
0x5e: {  	s1 =	rddreg [dreg:$0x1];
	p0 =	sne.s32 s2, $0x0  }
0x5f: {  	s3 =	rddreg [dreg:$0x2];
	[bflag:$0x3] =	sbarrier.arrive $0xFFFF;
	s2 =	simm.s32 @!p0 $0x1C01  }
0x60: {  	[timem:s3], [sflag:s2] =	dma.local @!p0 [hbm:s0], s1  }
0x61: {  	s0 =	simm.s32 @!p0 $0x1  }
0x62: {  	_ =	swait.ge @!p0 [sflag:s0], s1  }
0x63: {  	s1 =	ssub.s32 @!p0 $0x0, s1;
	[sflag:s0] =	ssyncset.done @!p0 $0x0  }
0x64: {  	[sflag:s0] =	ssyncadd.s32 @!p0 s1  }
0x65: {  	[bflag:$0x3] =	sbarrier.arrive $0xFFFF  }
0x66: {  	_ =	shalt  }

// kernel: sparse-core-data-format-call.cloned.1.call-start
scs
called_computation_lowered:
.L_overlay_start_0:
0x0: {  	s2 =	sld [smem:$0x3FD9]  }
0x1: {  	s3 =	sld [smem:$0x3FFE];
	_ =	sdelay $0x1  }
0x2: {  	s1 =	srdreg.scid  }
0x3: {  	s0 =	sand.u32 $0x1, s1  }
0x4: {  	s18 =	sshll.u32 s0, $0xA;
	s2 =	sadd.s32 s3, s2  }
0x5: {  	s2 =	sadd.s32 s2, s18  }
0x6: {  	[smem:$0x3FC6] =	sst s2  }
0x7: {  	_ = 	snop  }
0x8: {  	s2 =	sld [smem:$0x3FD0];
	(tm) =	ssettm $0x1  }
0x9: {  	s19 =	sld [smem:$0x3FFB];
	_ =	sdelay $0x3  }
0xa: {  	_ =	strace s19  }
0xb: {  	s3 =	sld [smem:$0x3FFC];
	_ =	sdelay $0x3  }
0xc: {  	_ =	strace s3  }
0xd: {  	s3 =	sld [smem:$0x3FFD];
	_ =	sdelay $0x3  }
0xe: {  	_ =	strace s3  }
0xf: {  	_ =	strace $0x8FFFFFFF  }
0x10: {  	s20 =	sld [smem:$0x3FDB];
	_ =	sdelay $0x1  }
0x11: {  	s4 =	simm.s32 $_scs_section_size  }
0x12: {  	s5 =	simm.s32 $_size__tile_overlayer_lowered;
	s6 =	simm.s32 $_tile_overlayer_lowered  }
0x13: {  	s23 =	simm.s32 $0x1BFF;
	s22 =	sshll.u32 s6, $0x1;
	s3 =	sadd.s32 s4, s20  }
0x14: {  	s7 =	simm.s32 $0x0;
	s21 =	sshll.u32 s5, $0x1;
	s5 =	sadd.s32 s22, s3  }
0x15: {  	[timem:s7], [sflag:s23] =	dma.local [hbm:s5], s21  }
0x16: {  	_ =	swait.ge [sflag:s23], s21  }
0x17: {  	s4 =	ssub.s32 $0x0, s21;
	[sflag:s23] =	ssyncset.done $0x0  }
0x18: {  	[sflag:s23] =	ssyncadd.s32 s4;
	_ =	sdelay $0x1  }
0x19: {  	s24 =	simm.s32 $0x1B8B  }
0x1a: {  	_ =	swait.ge [sflag:s24], $0x1  }
0x1b: {  	[sflag:s24] =	ssyncset.done $0x0  }
0x1c: {  	s26 =	simm.s32 $0x1B8E;
	s25 =	sld [smem:$0x3FFE];
	[sflag:s24] =	ssyncadd.s32 $0xFFFFFFFF  }
0x1d: {  	s27 =	simm.s32 $execute0_lowered;
	[smem:$0x3FD2] =	sst s26  }
0x1e: {  	s5 =	sshll.u32 s27, $0x1;
	_ =	strace $0x8000004C;
	[dreg:$0x1] =	wrdreg $0xFFFFFFFF  }
0x1f: {  	s28 =	simm.s32 $_size_execute0_lowered;
	s3 =	sadd.s32 s3, s5;
	[dreg:$0x0] =	wrdreg $0x0  }
0x20: {  	s5 =	sshll.u32 s28, $0x1;
	[dreg:$0x2] =	wrdreg s3  }
0x21: {  	[dreg:$0x3] =	wrdreg s5  }
0x22: {  	[dreg:$0x4] =	wrdreg $0xC0  }
0x23: {  	_ =	task [dreg:s7], $0x5FFFF  }
0x24: {  	[dreg:$0x1] =	wrdreg $0xFFFFFFFF  }
0x25: {  	[dreg:$0x0] =	wrdreg $0x60  }
0x26: {  	[dreg:$0x2] =	wrdreg s25  }
0x27: {  	[dreg:$0x3] =	wrdreg s2  }
0x28: {  	[dreg:$0x4] =	wrdreg $0x9  }
0x29: {  	_ =	task.clear_ibuf [dreg:s7], $0x5FFFF;
	_ =	strace $0x9000004C  }
0x2a: {  	s29 =	simm.s32 $0x9;
	_ =	strace $0x8000004E  }
0x2b: {  	_ =	swait.ge [sflag:s29], $0x1  }
0x2c: {  	[sflag:s29] =	ssyncadd.s32 $0xFFFFFFFF  }
0x2d: {  	_ =	strace $0x9000004E  }
0x2e: {  	_ =	sfence  }
0x2f: {  	s30 =	sld [smem:$0x0];
	_ =	sdelay $0x2  }
0x30: {  	s31 =	sshll.u32 s1, $0xD;
	s1 =	sshrl.u32 s1, $0x2  }
0x31: {  	s3 =	sand.u32 $0x4000, s31;
	s1 =	sadd.s32 s1, s30  }
0x32: {  	s0 =	sor.u32 s3, s0;
	s1 =	sshll.u32 s1, $0x11  }
0x33: {  	s0 =	sor.u32 s1, s0  }
0x34: {  	s0 =	sadd.s32 $0x8F2B, s0  }
0x35: {  	[sflag:s0] =	ssyncadd.remote.s32 $0x1  }
0x36: {  	_ =	sfence.sel $0xFFFF  }
0x37: {  	[dreg:$0x0] =	wrdreg $0xFFFFFFFF;
	(pc) =	sbr.abs _section_cstart, $3  }
0x38: {  	[dreg:$0x1] =	wrdreg $0xFFFFFFFF  }
0x39: {  	_ =	task.clear_ibuf [dreg:s7], $0x2FFFF;
	_ =	strace $0x9FFFFFFF  }
0x3a: {  	(tm) =	ssettm $0x7FFFFFFF  }
0x3b: {  	_ =	shalt  }
tec
execute0_lowered:
.L_overlay_start_1:
0x0: {  	(tag) =	ssettag $0x1  }
0x1: {  	s0 =	srdreg.scid  }
0x2: {  	s1 =	sshll.u32 s0, $0x4  }
0x3: {  	s0 =	stileid.u32;
	s1 =	sand.u32 $0x10, s1  }
0x4: {  	s1 =	sor.u32 s0, s1  }
0x5: {  	s6 =	rddreg [dreg:$0x0];
	s4 =	simm.s32 $0x1;
	s2 =	sshll.u32 s1, $0x7  }
0x6: {  	s7 =	simm.s32 $0x2;
	s12 =	simm.s32 $0x0;
	s1 =	ssub.s32 $0x4000, s2  }
0x7: {  	s8 =	simm.s32 $0x20000;
	s13 =	simm.s32 $0x0;
	s3 =	sand.u32 $0xF80, s1  }
0x8: {  	s9 =	simm.s32 $0x0;
	s5 =	sshrl.u32 s1, $0xC;
	p0 =	sne.s32 s3, $0x0  }
.Ltmp0:
0x9: {  	s1 =	rddreg [dreg:$0x2];
	s4 =	simm.s32 @!p0 $0x0;
	(pc) =	sbr.rel .LBB1_1-.Ltmp0, $4  }
0xa: {  	s11 =	simm.s32 $0x0;
	s3 =	rddreg [dreg:$0x1];
	s5 =	sadd.s32 s4, s5  }
0xb: {  	_ =	strace $0x8000004D;
	s4 =	simm.s32 $0x1;
	s5 =	smul.u32 $0x1A, s5  }
0xc: {  	s6 =	sadd.s32 $0xE00, s6;
	s10 =	smov.u32 s2;
	[sflag:s4] =	ssyncpa.u1 $0x0  }
0xd: {  	p0 =	por $0x0, $0x0;
	[sflag:s7] =	ssyncpa.u1 $0x0;
	s7 =	sor.u32 $0x1, s5  }
.LBB1_4:
0xe: {  	s16 =	sshll.u32 s13, $0x3;
	s17 =	sand.u32 $0x78, s13  }
0xf: {  	s30 =	sand.u32 $0xF800, s13;
	s12 =	sshll.u32 s12, $0x10;
	s16 =	sand.u32 $0x3C00, s16  }
0x10: {  	s31 =	sand.u32 $0x7, s13;
	s16 =	sor.u32 s17, s16;
	s17 =	sadd.s32 s3, s30  }
0x11: {  	s13 =	sshll.u32 s31, $0x12;
	s16 =	sshrl.u32 s16, $0x3;
	s12 =	sadd.s32 s12, s17  }
0x12: {  	[tilespmem:s15+$0x0 ss:$0x81] =	vst.msk $0xffff, v0;
	s13 =	sor.u32 $0x400, s13;
	s12 =	sadd.s32 s16, s12  }
0x13: {  	[hbm4b:s12+s13] =	stream.strided.scatter [tilespmem:s14], [sflag:$0x2], $0x1000, s8, s13, $0x20;
	[tilespmem:$0x4040] =	vst v63  }
.LBB1_5:
0x14: {  	s14 =	sadd.s32 $0x1, s9  }
0x15: {  	s12 =	sadd.s32 $0x1000, s10;
	s16 =	smov.u32 s10;
	p2 =	sgt.s32 s14, $0x19  }
0x16: {  	s16 =	smov.u32 @p2 s12  }
0x17: {  	s14 =	simm.s32 @p2 $0x0;
	p2 =	sgt.s32 s16, $0x3FFF  }
0x18: {  	s16 =	smov.u32 @p2 s2;
	p2 =	sne.s32 s11, s7  }
.Ltmp1:
0x19: {  	p1 =	slt.u32 s11, $0x2;
	(pc) =	sbr.rel @!p2 .LBB1_6-.Ltmp1, $4  }
0x1a: {  	s15 =	simm.s32 @!p1 $0x2  }
0x1b: {  	s13 =	smov.u32 s10;
	p0 =	por !p0, !p0;
	_ =	swait.ge @!p1 [sflag:s15], $0x1000  }
0x1c: {  	s12 =	smov.u32 s9;
	[sflag:s15] =	ssyncset.done @!p1 $0x0;
	s9 =	smov.u32 s14  }
0x1d: {  	s11 =	sadd.s32 $0x1, s11;
	[sflag:s15] =	ssyncadd.s32 @!p1 $0xFFFFF000;
	s10 =	smov.u32 s16  }
.LBB1_1:
0x1e: {  	p1 =	sge.u32 s11, s5  }
0x1f: {  	s31 =	sadd.s32 $0xFFFFFFFF, s11;
	s14 =	sxor.u32 @!p1 $0xFFFFFFFF, s11  }
0x20: {  	s15 =	sshll.u32 @!p1 s10, $0x9;
	s16 =	sshll.u32 @!p1 s9, $0x4;
	s17 =	simm.s32 @!p1 $0x1000  }
0x21: {  	s14 =	sshll.u32 @!p1 s14, $0xC;
	s16 =	sand.u32 @!p1 $0x1F0, s16;
	s15 =	sadd.s32 @!p1 s6, s15  }
0x22: {  	s14 =	sand.u32 @!p1 $0x1000, s14;
	s15 =	sadd.s32 @!p1 s16, s15;
	s16 =	simm.s32 @!p1 $0x20  }
0x23: {  	[tilespmem:s14], [sflag:$0x1] =	stream.strided.gather @!p1 [hbm4b:s15+s16], $0x1000, s17, s16, $0x38;
	[tilespmem:$0x4040] =	vst v63  }
0x24: {  	p1 =	sge.u32 s31, s5  }
.Ltmp2:
0x25: {  	_ = 	snop;
	(pc) =	sbr.rel @p1 .LBB1_5-.Ltmp2, $1  }
0x26: {  	_ =	sdelay $0x3  }
0x27: {  	s14 =	simm.s32 $0x1  }
0x28: {  	_ =	swait.ge [sflag:s4], $0x1000;
	s14 =	simm.s32 @!p0 $0x0  }
0x29: {  	[sflag:s4] =	ssyncset.done $0x0;
	s15 =	sshll.u32 s14, $0xC  }
0x2a: {  	[sflag:s4] =	ssyncadd.s32 $0xFFFFF000;
	s18 =	sor.u32 $0x10, s15  }
0x2b: {  	s14 =	smul.u32 $0x4080, s14;
	v1 =	vld [tilespmem:s18+$0x0]  }
0x2c: {  	s30 =	sand.u32 $0x1, s11;
	v0 =	vld [tilespmem:s18+$0xFFFFFFF0]  }
0x2d: {  	s15 =	smul.u32 $0x4080, s30;
	s14 =	sshrl.u32 s14, $0x2  }
0x2e: {  	s16 =	sor.u32 $0x2000, s14  }
0x2f: {  	s31 =	sshrl.u32 s15, $0x2;
	s15 =	sadd.s32 $0x0, s16  }
0x30: {  	s17 =	simm.s32 $0x4;
	s18 =	sadd.s32 $0x20, s18;
	s14 =	sor.u32 $0x2000, s31;
	[tilespmem:s15+$0x810 ss:$0x81] =	vst.msk $0xffff, v1  }
.LBB1_3:
0x31: {  	v1 =	vld [tilespmem:s18+$0x0];
	p1 =	sne.s32 s17, $0x1FC;
	[tilespmem:s15+$0x0 ss:$0x81] =	vst.msk $0xffff, v0;
	s15 =	smov.u32 s17;
	s17 =	sadd.s32 $0x4, s17  }
.Ltmp3:
0x32: {  	v0 =	vld [tilespmem:s18+$0xFFFFFFF0];
	(pc) =	sbr.rel @p1 .LBB1_3-.Ltmp3, $4  }
0x33: {  	_ = 	snop  }
0x34: {  	s15 =	sshra.s32 s15, $0x2  }
0x35: {  	s15 =	sadd.s32 s15, s16  }
0x36: {  	s18 =	sadd.s32 $0x20, s18;
	[tilespmem:s15+$0x810 ss:$0x81] =	vst.msk $0xffff, v1  }
.Ltmp4:
0x37: {  	_ = 	snop;
	(pc) =	sbr.rel .LBB1_4-.Ltmp4, $1  }
0x38: {  	_ =	sdelay $0x3  }
.LBB1_6:
0x39: {  	_ =	sfence.sel $0x180000  }
0x3a: {  	s2 =	simm.s32 $0x1;
	[bflag:$0x0] =	sbarrier.arrive $0xFFFF  }
0x3b: {  	s31 =	simm.s32 $0x2;
	[sflag:s2] =	ssyncpa.u1 $0x1  }
0x3c: {  	[sflag:s31] =	ssyncpa.u1 $0x1  }
0x3d: {  	p0 =	sne.s32 s0, $0x0;
	_ =	strace $0x9000004D  }
0x3e: {  	s0 =	sadd.s32 @!p0 $0x100000, s1;
	[bflag:$0x2] =	sbarrier.arrive $0xFFFF  }
0x3f: {  	[sflag:s0] =	ssyncadd.tile.s32 @!p0 $0x1;
	_ =	shalt  }
.Lfunc_end1:
_tile_overlayer_lowered:
.L_overlay_start_2:
0x40: {  	(tag) =	ssettag $0x2  }
0x41: {  	s0 =	rddreg [dreg:$0x0];
	s2 =	stileid.u32  }
0x42: {  	s1 =	rddreg [dreg:$0x1];
	p0 =	sne.s32 s2, $0x0  }
0x43: {  	s3 =	rddreg [dreg:$0x2];
	[bflag:$0x3] =	sbarrier.arrive $0xFFFF;
	s2 =	simm.s32 @!p0 $0x1C01  }
0x44: {  	[timem:s3], [sflag:s2] =	dma.local @!p0 [hbm:s0], s1  }
0x45: {  	s0 =	simm.s32 @!p0 $0x1  }
0x46: {  	_ =	swait.ge @!p0 [sflag:s0], s1  }
0x47: {  	s1 =	ssub.s32 @!p0 $0x0, s1;
	[sflag:s0] =	ssyncset.done @!p0 $0x0  }
0x48: {  	[sflag:s0] =	ssyncadd.s32 @!p0 s1  }
0x49: {  	[bflag:$0x3] =	sbarrier.arrive $0xFFFF  }
0x4a: {  	_ =	shalt  }

</sc_bundles>
